<compile_context>
chip_gen: v7x
topology: tpu7x:2x2x1
jax: 0.10.2.dev20260603
libtpu: 0.0.44.dev20260713+nightly
codegen_flags: <defaults>
</compile_context>

<pallas_src>
import functools

import jax
import jax.numpy as jnp
from jax import lax
from jax.experimental import pallas as pl
from jax.experimental.pallas import tpu as pltpu
from jax.experimental.pallas import tpu_sc as plsc

VOCAB = 1_000_000
EMB = 64
NTOK = 819_200

_info = plsc.get_sparse_core_info()
_NC = _info.num_cores
_NS = _info.num_subcores
NW = _NC * _NS
B_PER_W = NTOK // NW
CHUNK = 128
N_CHUNKS = B_PER_W // CHUNK
NBUF = 8

_mesh = plsc.VectorSubcoreMesh(core_axis_name="c", subcore_axis_name="s")


@functools.partial(
    pl.kernel,
    mesh=_mesh,
    out_type=jax.ShapeDtypeStruct((NTOK, 2 * EMB), jnp.float32),
    scratch_types=[
        pltpu.VMEM((B_PER_W,), jnp.int32),
        pltpu.VMEM((NBUF, CHUNK, EMB), jnp.float32),
    ] + [pltpu.SemaphoreType.DMA] * NBUF,
    compiler_params=pltpu.CompilerParams(use_tc_tiling_on_sc=False),
)
def _gather_kernel(ids_hbm, table_hbm, out_hbm, idx_v, rows_v, *gsems):
    wid = lax.axis_index("s") * _NC + lax.axis_index("c")
    base = wid * B_PER_W

    pltpu.sync_copy(ids_hbm.at[pl.ds(base, B_PER_W)], idx_v)

    def gather(c, s):
        return pltpu.make_async_copy(
            table_hbm.at[idx_v.at[pl.ds(c * CHUNK, CHUNK)]],
            rows_v.at[s],
            gsems[s],
        )

    for s in range(NBUF):
        gather(s, s).start()

    def round_step(r, _):
        for s in range(NBUF):
            g = r * NBUF + s
            gather(g, s).wait()
            pltpu.sync_copy(
                rows_v.at[s],
                out_hbm.at[pl.ds(base + g * CHUNK, CHUNK), pl.ds(0, EMB)],
            )

            @pl.when(g + NBUF < N_CHUNKS)
            def _():
                gather(g + NBUF, s).start()

        return 0

    lax.fori_loop(0, N_CHUNKS // NBUF, round_step, 0)


def kernel(tokens_ids, table):
    out_wide = _gather_kernel(tokens_ids.astype(jnp.int32), table)
    return out_wide[:, :EMB]

# --- scband reference (transcript-rebuilt; emitter-appended) ---
"""Pipeline reference for scband-base-pretrained-embedding-75986561401142 (READ-ONLY COPY).

The authoritative reference and input builder live on the scoring server;
editing this copy changes nothing except your own understanding.
"""

import jax, jax.numpy as jnp
import numpy as np

VOCAB = 1000000
EMB_DIM = 64
N_TOKENS = 819200


def setup_inputs(seed: int = 0) -> dict:
    key = jax.random.key(seed)
    k_ids, k_tab = jax.random.split(key)
    tokens_ids = jax.random.randint(k_ids, (N_TOKENS,), 0, VOCAB, dtype=jnp.int64 if jax.config.jax_enable_x64 else jnp.int32)
    table = jax.random.normal(k_tab, (VOCAB, EMB_DIM), dtype=jnp.float32)
    return {"tokens_ids": tokens_ids, "table": table}


def reference(tokens_ids, table):
    # Faithful to BasePretrainedEmbedding.get_embeddings:
    #   ids = word2idx lookups (precomputed as tokens_ids, already filtered to valid ids)
    #   embeddings = self.embeddings(ids)  -> frozen pretrained embedding gather
    # All ids are in-range (the -1 OOV filtering has already removed misses),
    # so the gather is the whole forward.
    embeddings = jnp.take(table, tokens_ids, axis=0)
    return embeddings

if __name__ == "__main__":
    import jax
    _d = setup_inputs()
    print(jax.jit(kernel)(*tuple(_d.values())))

</pallas_src>

<mosaic_0001>
#map = affine_map<(d0, d1) -> (0)>
#map1 = affine_map<(d0, d1) -> (0, 0)>
module attributes {stable_mosaic.version = 14 : i64} {
  func.func @_gather_kernel(%arg0: i32, %arg1: i32, %arg2: memref<819200xi32, #tpu.memory_space<hbm>>, %arg3: memref<1000000x64xf32, #tpu.memory_space<hbm>>, %arg4: memref<819200x128xf32, #tpu.memory_space<hbm>>, %arg5: memref<25600xi32, #tpu.memory_space<vmem>>, %arg6: memref<8x128x64xf32, #tpu.memory_space<vmem>>, %arg7: memref<!tpu.dma_semaphore, #tpu.memory_space<semaphore_mem>>, %arg8: memref<!tpu.dma_semaphore, #tpu.memory_space<semaphore_mem>>, %arg9: memref<!tpu.dma_semaphore, #tpu.memory_space<semaphore_mem>>, %arg10: memref<!tpu.dma_semaphore, #tpu.memory_space<semaphore_mem>>, %arg11: memref<!tpu.dma_semaphore, #tpu.memory_space<semaphore_mem>>, %arg12: memref<!tpu.dma_semaphore, #tpu.memory_space<semaphore_mem>>, %arg13: memref<!tpu.dma_semaphore, #tpu.memory_space<semaphore_mem>>, %arg14: memref<!tpu.dma_semaphore, #tpu.memory_space<semaphore_mem>>) attributes {dimension_semantics = [#tpu.dimension_semantics<core_parallel>, #tpu.dimension_semantics<subcore_parallel>], iteration_bounds = array<i64: 2, 16>, scalar_prefetch = 0 : i64, scratch_operands = 10 : i64, tpu.core_type = #tpu.core_type<sc_vector_subcore>, window_params = [{transform_indices = #map}, {transform_indices = #map1}, {transform_indices = #map1}]} {
    %mul3A = arith.constant 2 : i32
    %mul3A_0 = arith.muli %arg1, %mul3A : i32
    %add3A = arith.addi %mul3A_0, %arg0 : i32
    %mul3A_1 = arith.constant 25600 : i32
    %mul3A_2 = arith.muli %add3A, %mul3A_1 : i32
    "tpu.region"() ({
      %run_scoped3A = tpu.sem_alloc : memref<!tpu.dma_semaphore, #tpu.memory_space<semaphore_mem>>
      %dma_start3A_88 = tpu.memref_slice %arg2[%mul3A_2] : memref<819200xi32, #tpu.memory_space<hbm>> -> memref<25600xi32, #tpu.memory_space<hbm>>
      %dma_start3A_89 = tpu.memref_slice %arg2[%mul3A_2] : memref<819200xi32, #tpu.memory_space<hbm>> -> memref<25600xi32, #tpu.memory_space<hbm>>
      tpu.enqueue_dma source(%dma_start3A_89 : memref<25600xi32, #tpu.memory_space<hbm>>) target(%arg5 : memref<25600xi32, #tpu.memory_space<vmem>>) target_semaphore(%run_scoped3A : memref<!tpu.dma_semaphore, #tpu.memory_space<semaphore_mem>>)
      %dma_wait3A = tpu.memref_slice %arg2[%mul3A_2] : memref<819200xi32, #tpu.memory_space<hbm>> -> memref<25600xi32, #tpu.memory_space<hbm>>
      %dma_wait3A_90 = tpu.memref_slice %arg2[%mul3A_2] : memref<819200xi32, #tpu.memory_space<hbm>> -> memref<25600xi32, #tpu.memory_space<hbm>>
      tpu.wait_dma2 semaphore(%run_scoped3A : memref<!tpu.dma_semaphore, #tpu.memory_space<semaphore_mem>>) src(%dma_wait3A_90 : memref<25600xi32, #tpu.memory_space<hbm>>) dst(%arg5 : memref<25600xi32, #tpu.memory_space<vmem>>)
      tpu.yield
    }) : () -> ()
    %dma_start3A = arith.constant 0 : i32
    %dma_start3A_3 = arith.constant 0 : i32
    %dma_start3A_4 = arith.constant 0 : i32
    %dma_start3A_5 = tpu.memref_slice %arg6[%dma_start3A, %dma_start3A_3, %dma_start3A_4] : memref<8x128x64xf32, #tpu.memory_space<vmem>> -> memref<1x128x64xf32, #tpu.memory_space<vmem>>
    %dma_start3A_6 = tpu.memref_squeeze %dma_start3A_5 : memref<1x128x64xf32, #tpu.memory_space<vmem>> -> memref<128x64xf32, #tpu.memory_space<vmem>>
    %dma_start3A_7 = arith.constant 0 : i32
    %dma_start3A_8 = tpu.memref_slice %arg5[%dma_start3A_7] : memref<25600xi32, #tpu.memory_space<vmem>> -> memref<128xi32, #tpu.memory_space<vmem>>
    %dma_start3A_9 = arith.constant 0 : i32
    %dma_start3A_10 = arith.constant 0 : i32
    %dma_start3A_11 = tpu.memref_slice %arg3[%dma_start3A_9, %dma_start3A_10] : memref<1000000x64xf32, #tpu.memory_space<hbm>> -> memref<1000000x64xf32, #tpu.memory_space<hbm>>
    tpu.enqueue_indirect_dma source(%dma_start3A_11 : memref<1000000x64xf32, #tpu.memory_space<hbm>>) target(%dma_start3A_6 : memref<128x64xf32, #tpu.memory_space<vmem>>) offsets(%dma_start3A_8 : memref<128xi32, #tpu.memory_space<vmem>>) semaphore(%arg7 : memref<!tpu.dma_semaphore, #tpu.memory_space<semaphore_mem>>)
    %dma_start3A_12 = arith.constant 1 : i32
    %dma_start3A_13 = arith.constant 0 : i32
    %dma_start3A_14 = arith.constant 0 : i32
    %dma_start3A_15 = tpu.memref_slice %arg6[%dma_start3A_12, %dma_start3A_13, %dma_start3A_14] : memref<8x128x64xf32, #tpu.memory_space<vmem>> -> memref<1x128x64xf32, #tpu.memory_space<vmem>>
    %dma_start3A_16 = tpu.memref_squeeze %dma_start3A_15 : memref<1x128x64xf32, #tpu.memory_space<vmem>> -> memref<128x64xf32, #tpu.memory_space<vmem>>
    %dma_start3A_17 = arith.constant 128 : i32
    %dma_start3A_18 = tpu.memref_slice %arg5[%dma_start3A_17] : memref<25600xi32, #tpu.memory_space<vmem>> -> memref<128xi32, #tpu.memory_space<vmem>>
    %dma_start3A_19 = arith.constant 0 : i32
    %dma_start3A_20 = arith.constant 0 : i32
    %dma_start3A_21 = tpu.memref_slice %arg3[%dma_start3A_19, %dma_start3A_20] : memref<1000000x64xf32, #tpu.memory_space<hbm>> -> memref<1000000x64xf32, #tpu.memory_space<hbm>>
    tpu.enqueue_indirect_dma source(%dma_start3A_21 : memref<1000000x64xf32, #tpu.memory_space<hbm>>) target(%dma_start3A_16 : memref<128x64xf32, #tpu.memory_space<vmem>>) offsets(%dma_start3A_18 : memref<128xi32, #tpu.memory_space<vmem>>) semaphore(%arg8 : memref<!tpu.dma_semaphore, #tpu.memory_space<semaphore_mem>>)
    %dma_start3A_22 = arith.constant 2 : i32
    %dma_start3A_23 = arith.constant 0 : i32
    %dma_start3A_24 = arith.constant 0 : i32
    %dma_start3A_25 = tpu.memref_slice %arg6[%dma_start3A_22, %dma_start3A_23, %dma_start3A_24] : memref<8x128x64xf32, #tpu.memory_space<vmem>> -> memref<1x128x64xf32, #tpu.memory_space<vmem>>
    %dma_start3A_26 = tpu.memref_squeeze %dma_start3A_25 : memref<1x128x64xf32, #tpu.memory_space<vmem>> -> memref<128x64xf32, #tpu.memory_space<vmem>>
    %dma_start3A_27 = arith.constant 256 : i32
    %dma_start3A_28 = tpu.memref_slice %arg5[%dma_start3A_27] : memref<25600xi32, #tpu.memory_space<vmem>> -> memref<128xi32, #tpu.memory_space<vmem>>
    %dma_start3A_29 = arith.constant 0 : i32
    %dma_start3A_30 = arith.constant 0 : i32
    %dma_start3A_31 = tpu.memref_slice %arg3[%dma_start3A_29, %dma_start3A_30] : memref<1000000x64xf32, #tpu.memory_space<hbm>> -> memref<1000000x64xf32, #tpu.memory_space<hbm>>
    tpu.enqueue_indirect_dma source(%dma_start3A_31 : memref<1000000x64xf32, #tpu.memory_space<hbm>>) target(%dma_start3A_26 : memref<128x64xf32, #tpu.memory_space<vmem>>) offsets(%dma_start3A_28 : memref<128xi32, #tpu.memory_space<vmem>>) semaphore(%arg9 : memref<!tpu.dma_semaphore, #tpu.memory_space<semaphore_mem>>)
    %dma_start3A_32 = arith.constant 3 : i32
    %dma_start3A_33 = arith.constant 0 : i32
    %dma_start3A_34 = arith.constant 0 : i32
    %dma_start3A_35 = tpu.memref_slice %arg6[%dma_start3A_32, %dma_start3A_33, %dma_start3A_34] : memref<8x128x64xf32, #tpu.memory_space<vmem>> -> memref<1x128x64xf32, #tpu.memory_space<vmem>>
    %dma_start3A_36 = tpu.memref_squeeze %dma_start3A_35 : memref<1x128x64xf32, #tpu.memory_space<vmem>> -> memref<128x64xf32, #tpu.memory_space<vmem>>
    %dma_start3A_37 = arith.constant 384 : i32
    %dma_start3A_38 = tpu.memref_slice %arg5[%dma_start3A_37] : memref<25600xi32, #tpu.memory_space<vmem>> -> memref<128xi32, #tpu.memory_space<vmem>>
    %dma_start3A_39 = arith.constant 0 : i32
    %dma_start3A_40 = arith.constant 0 : i32
    %dma_start3A_41 = tpu.memref_slice %arg3[%dma_start3A_39, %dma_start3A_40] : memref<1000000x64xf32, #tpu.memory_space<hbm>> -> memref<1000000x64xf32, #tpu.memory_space<hbm>>
    tpu.enqueue_indirect_dma source(%dma_start3A_41 : memref<1000000x64xf32, #tpu.memory_space<hbm>>) target(%dma_start3A_36 : memref<128x64xf32, #tpu.memory_space<vmem>>) offsets(%dma_start3A_38 : memref<128xi32, #tpu.memory_space<vmem>>) semaphore(%arg10 : memref<!tpu.dma_semaphore, #tpu.memory_space<semaphore_mem>>)
    %dma_start3A_42 = arith.constant 4 : i32
    %dma_start3A_43 = arith.constant 0 : i32
    %dma_start3A_44 = arith.constant 0 : i32
    %dma_start3A_45 = tpu.memref_slice %arg6[%dma_start3A_42, %dma_start3A_43, %dma_start3A_44] : memref<8x128x64xf32, #tpu.memory_space<vmem>> -> memref<1x128x64xf32, #tpu.memory_space<vmem>>
    %dma_start3A_46 = tpu.memref_squeeze %dma_start3A_45 : memref<1x128x64xf32, #tpu.memory_space<vmem>> -> memref<128x64xf32, #tpu.memory_space<vmem>>
    %dma_start3A_47 = arith.constant 512 : i32
    %dma_start3A_48 = tpu.memref_slice %arg5[%dma_start3A_47] : memref<25600xi32, #tpu.memory_space<vmem>> -> memref<128xi32, #tpu.memory_space<vmem>>
    %dma_start3A_49 = arith.constant 0 : i32
    %dma_start3A_50 = arith.constant 0 : i32
    %dma_start3A_51 = tpu.memref_slice %arg3[%dma_start3A_49, %dma_start3A_50] : memref<1000000x64xf32, #tpu.memory_space<hbm>> -> memref<1000000x64xf32, #tpu.memory_space<hbm>>
    tpu.enqueue_indirect_dma source(%dma_start3A_51 : memref<1000000x64xf32, #tpu.memory_space<hbm>>) target(%dma_start3A_46 : memref<128x64xf32, #tpu.memory_space<vmem>>) offsets(%dma_start3A_48 : memref<128xi32, #tpu.memory_space<vmem>>) semaphore(%arg11 : memref<!tpu.dma_semaphore, #tpu.memory_space<semaphore_mem>>)
    %dma_start3A_52 = arith.constant 5 : i32
    %dma_start3A_53 = arith.constant 0 : i32
    %dma_start3A_54 = arith.constant 0 : i32
    %dma_start3A_55 = tpu.memref_slice %arg6[%dma_start3A_52, %dma_start3A_53, %dma_start3A_54] : memref<8x128x64xf32, #tpu.memory_space<vmem>> -> memref<1x128x64xf32, #tpu.memory_space<vmem>>
    %dma_start3A_56 = tpu.memref_squeeze %dma_start3A_55 : memref<1x128x64xf32, #tpu.memory_space<vmem>> -> memref<128x64xf32, #tpu.memory_space<vmem>>
    %dma_start3A_57 = arith.constant 640 : i32
    %dma_start3A_58 = tpu.memref_slice %arg5[%dma_start3A_57] : memref<25600xi32, #tpu.memory_space<vmem>> -> memref<128xi32, #tpu.memory_space<vmem>>
    %dma_start3A_59 = arith.constant 0 : i32
    %dma_start3A_60 = arith.constant 0 : i32
    %dma_start3A_61 = tpu.memref_slice %arg3[%dma_start3A_59, %dma_start3A_60] : memref<1000000x64xf32, #tpu.memory_space<hbm>> -> memref<1000000x64xf32, #tpu.memory_space<hbm>>
    tpu.enqueue_indirect_dma source(%dma_start3A_61 : memref<1000000x64xf32, #tpu.memory_space<hbm>>) target(%dma_start3A_56 : memref<128x64xf32, #tpu.memory_space<vmem>>) offsets(%dma_start3A_58 : memref<128xi32, #tpu.memory_space<vmem>>) semaphore(%arg12 : memref<!tpu.dma_semaphore, #tpu.memory_space<semaphore_mem>>)
    %dma_start3A_62 = arith.constant 6 : i32
    %dma_start3A_63 = arith.constant 0 : i32
    %dma_start3A_64 = arith.constant 0 : i32
    %dma_start3A_65 = tpu.memref_slice %arg6[%dma_start3A_62, %dma_start3A_63, %dma_start3A_64] : memref<8x128x64xf32, #tpu.memory_space<vmem>> -> memref<1x128x64xf32, #tpu.memory_space<vmem>>
    %dma_start3A_66 = tpu.memref_squeeze %dma_start3A_65 : memref<1x128x64xf32, #tpu.memory_space<vmem>> -> memref<128x64xf32, #tpu.memory_space<vmem>>
    %dma_start3A_67 = arith.constant 768 : i32
    %dma_start3A_68 = tpu.memref_slice %arg5[%dma_start3A_67] : memref<25600xi32, #tpu.memory_space<vmem>> -> memref<128xi32, #tpu.memory_space<vmem>>
    %dma_start3A_69 = arith.constant 0 : i32
    %dma_start3A_70 = arith.constant 0 : i32
    %dma_start3A_71 = tpu.memref_slice %arg3[%dma_start3A_69, %dma_start3A_70] : memref<1000000x64xf32, #tpu.memory_space<hbm>> -> memref<1000000x64xf32, #tpu.memory_space<hbm>>
    tpu.enqueue_indirect_dma source(%dma_start3A_71 : memref<1000000x64xf32, #tpu.memory_space<hbm>>) target(%dma_start3A_66 : memref<128x64xf32, #tpu.memory_space<vmem>>) offsets(%dma_start3A_68 : memref<128xi32, #tpu.memory_space<vmem>>) semaphore(%arg13 : memref<!tpu.dma_semaphore, #tpu.memory_space<semaphore_mem>>)
    %dma_start3A_72 = arith.constant 7 : i32
    %dma_start3A_73 = arith.constant 0 : i32
    %dma_start3A_74 = arith.constant 0 : i32
    %dma_start3A_75 = tpu.memref_slice %arg6[%dma_start3A_72, %dma_start3A_73, %dma_start3A_74] : memref<8x128x64xf32, #tpu.memory_space<vmem>> -> memref<1x128x64xf32, #tpu.memory_space<vmem>>
    %dma_start3A_76 = tpu.memref_squeeze %dma_start3A_75 : memref<1x128x64xf32, #tpu.memory_space<vmem>> -> memref<128x64xf32, #tpu.memory_space<vmem>>
    %dma_start3A_77 = arith.constant 896 : i32
    %dma_start3A_78 = tpu.memref_slice %arg5[%dma_start3A_77] : memref<25600xi32, #tpu.memory_space<vmem>> -> memref<128xi32, #tpu.memory_space<vmem>>
    %dma_start3A_79 = arith.constant 0 : i32
    %dma_start3A_80 = arith.constant 0 : i32
    %dma_start3A_81 = tpu.memref_slice %arg3[%dma_start3A_79, %dma_start3A_80] : memref<1000000x64xf32, #tpu.memory_space<hbm>> -> memref<1000000x64xf32, #tpu.memory_space<hbm>>
    tpu.enqueue_indirect_dma source(%dma_start3A_81 : memref<1000000x64xf32, #tpu.memory_space<hbm>>) target(%dma_start3A_76 : memref<128x64xf32, #tpu.memory_space<vmem>>) offsets(%dma_start3A_78 : memref<128xi32, #tpu.memory_space<vmem>>) semaphore(%arg14 : memref<!tpu.dma_semaphore, #tpu.memory_space<semaphore_mem>>)
    %scan3A = arith.constant 0 : i32
    %scan3A_82 = arith.constant 0 : i32
    %scan3A_83 = arith.constant 25 : i32
    %scan3A_84 = arith.addi %scan3A_82, %scan3A_83 : i32
    %scan3A_85 = arith.constant 1 : i32
    %scan3A_86 = scf.for %scan3A_88 = %scan3A_82 to %scan3A_84 step %scan3A_85 iter_args(%scan3A_89 = %scan3A) -> (i32)  : i32 {
      %mul3A_90 = arith.constant 8 : i32
      %mul3A_91 = arith.muli %scan3A_88, %mul3A_90 : i32
      %add3A_92 = arith.constant 0 : i32
      %add3A_93 = arith.addi %mul3A_91, %add3A_92 : i32
      %mul3A_94 = arith.constant 128 : i32
      %mul3A_95 = arith.muli %add3A_93, %mul3A_94 : i32
      %dma_wait3A = arith.constant 0 : i32
      %dma_wait3A_96 = arith.constant 0 : i32
      %dma_wait3A_97 = arith.constant 0 : i32
      %dma_wait3A_98 = tpu.memref_slice %arg6[%dma_wait3A, %dma_wait3A_96, %dma_wait3A_97] : memref<8x128x64xf32, #tpu.memory_space<vmem>> -> memref<1x128x64xf32, #tpu.memory_space<vmem>>
      %dma_wait3A_99 = tpu.memref_squeeze %dma_wait3A_98 : memref<1x128x64xf32, #tpu.memory_space<vmem>> -> memref<128x64xf32, #tpu.memory_space<vmem>>
      %dma_wait3A_100 = tpu.memref_slice %arg5[%mul3A_95] : memref<25600xi32, #tpu.memory_space<vmem>> -> memref<128xi32, #tpu.memory_space<vmem>>
      %dma_wait3A_101 = arith.constant 0 : i32
      %dma_wait3A_102 = arith.constant 0 : i32
      %dma_wait3A_103 = tpu.memref_slice %arg3[%dma_wait3A_101, %dma_wait3A_102] : memref<1000000x64xf32, #tpu.memory_space<hbm>> -> memref<1000000x64xf32, #tpu.memory_space<hbm>>
      tpu.wait_indirect_dma semaphore(%arg7 : memref<!tpu.dma_semaphore, #tpu.memory_space<semaphore_mem>>) src(%dma_wait3A_103 : memref<1000000x64xf32, #tpu.memory_space<hbm>>) dst(%dma_wait3A_99 : memref<128x64xf32, #tpu.memory_space<vmem>>)
      %mul3A_104 = arith.constant 128 : i32
      %mul3A_105 = arith.muli %add3A_93, %mul3A_104 : i32
      %add3A_106 = arith.addi %mul3A_2, %mul3A_105 : i32
      %run_scoped3A = arith.constant 0 : i32
      "tpu.region"() ({
        %run_scoped3A_294 = tpu.sem_alloc : memref<!tpu.dma_semaphore, #tpu.memory_space<semaphore_mem>>
        %dma_start3A_295 = arith.constant 0 : i32
        %dma_start3A_296 = arith.constant 0 : i32
        %dma_start3A_297 = tpu.memref_slice %arg6[%run_scoped3A, %dma_start3A_295, %dma_start3A_296] : memref<8x128x64xf32, #tpu.memory_space<vmem>> -> memref<1x128x64xf32, #tpu.memory_space<vmem>>
        %dma_start3A_298 = tpu.memref_squeeze %dma_start3A_297 : memref<1x128x64xf32, #tpu.memory_space<vmem>> -> memref<128x64xf32, #tpu.memory_space<vmem>>
        %dma_start3A_299 = arith.constant 0 : i32
        %dma_start3A_300 = tpu.memref_slice %arg4[%add3A_106, %dma_start3A_299] : memref<819200x128xf32, #tpu.memory_space<hbm>> -> memref<128x64xf32, #tpu.memory_space<hbm>>
        %dma_start3A_301 = arith.constant 0 : i32
        %dma_start3A_302 = tpu.memref_slice %arg4[%add3A_106, %dma_start3A_301] : memref<819200x128xf32, #tpu.memory_space<hbm>> -> memref<128x64xf32, #tpu.memory_space<hbm>>
        %dma_start3A_303 = arith.constant 0 : i32
        %dma_start3A_304 = arith.constant 0 : i32
        %dma_start3A_305 = tpu.memref_slice %arg6[%run_scoped3A, %dma_start3A_303, %dma_start3A_304] : memref<8x128x64xf32, #tpu.memory_space<vmem>> -> memref<1x128x64xf32, #tpu.memory_space<vmem>>
        %dma_start3A_306 = tpu.memref_squeeze %dma_start3A_305 : memref<1x128x64xf32, #tpu.memory_space<vmem>> -> memref<128x64xf32, #tpu.memory_space<vmem>>
        tpu.enqueue_dma source(%dma_start3A_306 : memref<128x64xf32, #tpu.memory_space<vmem>>) target(%dma_start3A_302 : memref<128x64xf32, #tpu.memory_space<hbm>>) target_semaphore(%run_scoped3A_294 : memref<!tpu.dma_semaphore, #tpu.memory_space<semaphore_mem>>)
        %dma_wait3A_307 = arith.constant 0 : i32
        %dma_wait3A_308 = arith.constant 0 : i32
        %dma_wait3A_309 = tpu.memref_slice %arg6[%run_scoped3A, %dma_wait3A_307, %dma_wait3A_308] : memref<8x128x64xf32, #tpu.memory_space<vmem>> -> memref<1x128x64xf32, #tpu.memory_space<vmem>>
        %dma_wait3A_310 = tpu.memref_squeeze %dma_wait3A_309 : memref<1x128x64xf32, #tpu.memory_space<vmem>> -> memref<128x64xf32, #tpu.memory_space<vmem>>
        %dma_wait3A_311 = arith.constant 0 : i32
        %dma_wait3A_312 = tpu.memref_slice %arg4[%add3A_106, %dma_wait3A_311] : memref<819200x128xf32, #tpu.memory_space<hbm>> -> memref<128x64xf32, #tpu.memory_space<hbm>>
        %dma_wait3A_313 = arith.constant 0 : i32
        %dma_wait3A_314 = tpu.memref_slice %arg4[%add3A_106, %dma_wait3A_313] : memref<819200x128xf32, #tpu.memory_space<hbm>> -> memref<128x64xf32, #tpu.memory_space<hbm>>
        %dma_wait3A_315 = arith.constant 0 : i32
        %dma_wait3A_316 = arith.constant 0 : i32
        %dma_wait3A_317 = tpu.memref_slice %arg6[%run_scoped3A, %dma_wait3A_315, %dma_wait3A_316] : memref<8x128x64xf32, #tpu.memory_space<vmem>> -> memref<1x128x64xf32, #tpu.memory_space<vmem>>
        %dma_wait3A_318 = tpu.memref_squeeze %dma_wait3A_317 : memref<1x128x64xf32, #tpu.memory_space<vmem>> -> memref<128x64xf32, #tpu.memory_space<vmem>>
        tpu.wait_dma2 semaphore(%run_scoped3A_294 : memref<!tpu.dma_semaphore, #tpu.memory_space<semaphore_mem>>) src(%dma_wait3A_318 : memref<128x64xf32, #tpu.memory_space<vmem>>) dst(%dma_wait3A_314 : memref<128x64xf32, #tpu.memory_space<hbm>>)
        tpu.yield
      }) : () -> ()
      %add3A_107 = arith.constant 8 : i32
      %add3A_108 = arith.addi %add3A_93, %add3A_107 : i32
      %lt3A = arith.constant 200 : i32
      %lt3A_109 = arith.cmpi slt, %add3A_108, %lt3A : i32
      %convert_element_type3A = arith.extui %lt3A_109 : i1 to i32
      %cond3A = arith.constant 0 : i32
      %cond3A_110 = arith.cmpi ne, %convert_element_type3A, %cond3A : i32
      scf.if %cond3A_110 {
        %add3A_294 = arith.constant 8 : i32
        %add3A_295 = arith.addi %add3A_93, %add3A_294 : i32
        %mul3A_296 = arith.constant 128 : i32
        %mul3A_297 = arith.muli %add3A_295, %mul3A_296 : i32
        %dma_start3A_298 = arith.constant 0 : i32
        %dma_start3A_299 = arith.constant 0 : i32
        %dma_start3A_300 = arith.constant 0 : i32
        %dma_start3A_301 = tpu.memref_slice %arg6[%dma_start3A_298, %dma_start3A_299, %dma_start3A_300] : memref<8x128x64xf32, #tpu.memory_space<vmem>> -> memref<1x128x64xf32, #tpu.memory_space<vmem>>
        %dma_start3A_302 = tpu.memref_squeeze %dma_start3A_301 : memref<1x128x64xf32, #tpu.memory_space<vmem>> -> memref<128x64xf32, #tpu.memory_space<vmem>>
        %dma_start3A_303 = tpu.memref_slice %arg5[%mul3A_297] : memref<25600xi32, #tpu.memory_space<vmem>> -> memref<128xi32, #tpu.memory_space<vmem>>
        %dma_start3A_304 = arith.constant 0 : i32
        %dma_start3A_305 = arith.constant 0 : i32
        %dma_start3A_306 = tpu.memref_slice %arg3[%dma_start3A_304, %dma_start3A_305] : memref<1000000x64xf32, #tpu.memory_space<hbm>> -> memref<1000000x64xf32, #tpu.memory_space<hbm>>
        tpu.enqueue_indirect_dma source(%dma_start3A_306 : memref<1000000x64xf32, #tpu.memory_space<hbm>>) target(%dma_start3A_302 : memref<128x64xf32, #tpu.memory_space<vmem>>) offsets(%dma_start3A_303 : memref<128xi32, #tpu.memory_space<vmem>>) semaphore(%arg7 : memref<!tpu.dma_semaphore, #tpu.memory_space<semaphore_mem>>)
      } else {
      }
      %mul3A_111 = arith.constant 8 : i32
      %mul3A_112 = arith.muli %scan3A_88, %mul3A_111 : i32
      %add3A_113 = arith.constant 1 : i32
      %add3A_114 = arith.addi %mul3A_112, %add3A_113 : i32
      %mul3A_115 = arith.constant 128 : i32
      %mul3A_116 = arith.muli %add3A_114, %mul3A_115 : i32
      %dma_wait3A_117 = arith.constant 1 : i32
      %dma_wait3A_118 = arith.constant 0 : i32
      %dma_wait3A_119 = arith.constant 0 : i32
      %dma_wait3A_120 = tpu.memref_slice %arg6[%dma_wait3A_117, %dma_wait3A_118, %dma_wait3A_119] : memref<8x128x64xf32, #tpu.memory_space<vmem>> -> memref<1x128x64xf32, #tpu.memory_space<vmem>>
      %dma_wait3A_121 = tpu.memref_squeeze %dma_wait3A_120 : memref<1x128x64xf32, #tpu.memory_space<vmem>> -> memref<128x64xf32, #tpu.memory_space<vmem>>
      %dma_wait3A_122 = tpu.memref_slice %arg5[%mul3A_116] : memref<25600xi32, #tpu.memory_space<vmem>> -> memref<128xi32, #tpu.memory_space<vmem>>
      %dma_wait3A_123 = arith.constant 0 : i32
      %dma_wait3A_124 = arith.constant 0 : i32
      %dma_wait3A_125 = tpu.memref_slice %arg3[%dma_wait3A_123, %dma_wait3A_124] : memref<1000000x64xf32, #tpu.memory_space<hbm>> -> memref<1000000x64xf32, #tpu.memory_space<hbm>>
      tpu.wait_indirect_dma semaphore(%arg8 : memref<!tpu.dma_semaphore, #tpu.memory_space<semaphore_mem>>) src(%dma_wait3A_125 : memref<1000000x64xf32, #tpu.memory_space<hbm>>) dst(%dma_wait3A_121 : memref<128x64xf32, #tpu.memory_space<vmem>>)
      %mul3A_126 = arith.constant 128 : i32
      %mul3A_127 = arith.muli %add3A_114, %mul3A_126 : i32
      %add3A_128 = arith.addi %mul3A_2, %mul3A_127 : i32
      %run_scoped3A_129 = arith.constant 1 : i32
      "tpu.region"() ({
        %run_scoped3A_294 = tpu.sem_alloc : memref<!tpu.dma_semaphore, #tpu.memory_space<semaphore_mem>>
        %dma_start3A_295 = arith.constant 0 : i32
        %dma_start3A_296 = arith.constant 0 : i32
        %dma_start3A_297 = tpu.memref_slice %arg6[%run_scoped3A_129, %dma_start3A_295, %dma_start3A_296] : memref<8x128x64xf32, #tpu.memory_space<vmem>> -> memref<1x128x64xf32, #tpu.memory_space<vmem>>
        %dma_start3A_298 = tpu.memref_squeeze %dma_start3A_297 : memref<1x128x64xf32, #tpu.memory_space<vmem>> -> memref<128x64xf32, #tpu.memory_space<vmem>>
        %dma_start3A_299 = arith.constant 0 : i32
        %dma_start3A_300 = tpu.memref_slice %arg4[%add3A_128, %dma_start3A_299] : memref<819200x128xf32, #tpu.memory_space<hbm>> -> memref<128x64xf32, #tpu.memory_space<hbm>>
        %dma_start3A_301 = arith.constant 0 : i32
        %dma_start3A_302 = tpu.memref_slice %arg4[%add3A_128, %dma_start3A_301] : memref<819200x128xf32, #tpu.memory_space<hbm>> -> memref<128x64xf32, #tpu.memory_space<hbm>>
        %dma_start3A_303 = arith.constant 0 : i32
        %dma_start3A_304 = arith.constant 0 : i32
        %dma_start3A_305 = tpu.memref_slice %arg6[%run_scoped3A_129, %dma_start3A_303, %dma_start3A_304] : memref<8x128x64xf32, #tpu.memory_space<vmem>> -> memref<1x128x64xf32, #tpu.memory_space<vmem>>
        %dma_start3A_306 = tpu.memref_squeeze %dma_start3A_305 : memref<1x128x64xf32, #tpu.memory_space<vmem>> -> memref<128x64xf32, #tpu.memory_space<vmem>>
        tpu.enqueue_dma source(%dma_start3A_306 : memref<128x64xf32, #tpu.memory_space<vmem>>) target(%dma_start3A_302 : memref<128x64xf32, #tpu.memory_space<hbm>>) target_semaphore(%run_scoped3A_294 : memref<!tpu.dma_semaphore, #tpu.memory_space<semaphore_mem>>)
        %dma_wait3A_307 = arith.constant 0 : i32
        %dma_wait3A_308 = arith.constant 0 : i32
        %dma_wait3A_309 = tpu.memref_slice %arg6[%run_scoped3A_129, %dma_wait3A_307, %dma_wait3A_308] : memref<8x128x64xf32, #tpu.memory_space<vmem>> -> memref<1x128x64xf32, #tpu.memory_space<vmem>>
        %dma_wait3A_310 = tpu.memref_squeeze %dma_wait3A_309 : memref<1x128x64xf32, #tpu.memory_space<vmem>> -> memref<128x64xf32, #tpu.memory_space<vmem>>
        %dma_wait3A_311 = arith.constant 0 : i32
        %dma_wait3A_312 = tpu.memref_slice %arg4[%add3A_128, %dma_wait3A_311] : memref<819200x128xf32, #tpu.memory_space<hbm>> -> memref<128x64xf32, #tpu.memory_space<hbm>>
        %dma_wait3A_313 = arith.constant 0 : i32
        %dma_wait3A_314 = tpu.memref_slice %arg4[%add3A_128, %dma_wait3A_313] : memref<819200x128xf32, #tpu.memory_space<hbm>> -> memref<128x64xf32, #tpu.memory_space<hbm>>
        %dma_wait3A_315 = arith.constant 0 : i32
        %dma_wait3A_316 = arith.constant 0 : i32
        %dma_wait3A_317 = tpu.memref_slice %arg6[%run_scoped3A_129, %dma_wait3A_315, %dma_wait3A_316] : memref<8x128x64xf32, #tpu.memory_space<vmem>> -> memref<1x128x64xf32, #tpu.memory_space<vmem>>
        %dma_wait3A_318 = tpu.memref_squeeze %dma_wait3A_317 : memref<1x128x64xf32, #tpu.memory_space<vmem>> -> memref<128x64xf32, #tpu.memory_space<vmem>>
        tpu.wait_dma2 semaphore(%run_scoped3A_294 : memref<!tpu.dma_semaphore, #tpu.memory_space<semaphore_mem>>) src(%dma_wait3A_318 : memref<128x64xf32, #tpu.memory_space<vmem>>) dst(%dma_wait3A_314 : memref<128x64xf32, #tpu.memory_space<hbm>>)
        tpu.yield
      }) : () -> ()
      %add3A_130 = arith.constant 8 : i32
      %add3A_131 = arith.addi %add3A_114, %add3A_130 : i32
      %lt3A_132 = arith.constant 200 : i32
      %lt3A_133 = arith.cmpi slt, %add3A_131, %lt3A_132 : i32
      %convert_element_type3A_134 = arith.extui %lt3A_133 : i1 to i32
      %cond3A_135 = arith.constant 0 : i32
      %cond3A_136 = arith.cmpi ne, %convert_element_type3A_134, %cond3A_135 : i32
      scf.if %cond3A_136 {
        %add3A_294 = arith.constant 8 : i32
        %add3A_295 = arith.addi %add3A_114, %add3A_294 : i32
        %mul3A_296 = arith.constant 128 : i32
        %mul3A_297 = arith.muli %add3A_295, %mul3A_296 : i32
        %dma_start3A_298 = arith.constant 1 : i32
        %dma_start3A_299 = arith.constant 0 : i32
        %dma_start3A_300 = arith.constant 0 : i32
        %dma_start3A_301 = tpu.memref_slice %arg6[%dma_start3A_298, %dma_start3A_299, %dma_start3A_300] : memref<8x128x64xf32, #tpu.memory_space<vmem>> -> memref<1x128x64xf32, #tpu.memory_space<vmem>>
        %dma_start3A_302 = tpu.memref_squeeze %dma_start3A_301 : memref<1x128x64xf32, #tpu.memory_space<vmem>> -> memref<128x64xf32, #tpu.memory_space<vmem>>
        %dma_start3A_303 = tpu.memref_slice %arg5[%mul3A_297] : memref<25600xi32, #tpu.memory_space<vmem>> -> memref<128xi32, #tpu.memory_space<vmem>>
        %dma_start3A_304 = arith.constant 0 : i32
        %dma_start3A_305 = arith.constant 0 : i32
        %dma_start3A_306 = tpu.memref_slice %arg3[%dma_start3A_304, %dma_start3A_305] : memref<1000000x64xf32, #tpu.memory_space<hbm>> -> memref<1000000x64xf32, #tpu.memory_space<hbm>>
        tpu.enqueue_indirect_dma source(%dma_start3A_306 : memref<1000000x64xf32, #tpu.memory_space<hbm>>) target(%dma_start3A_302 : memref<128x64xf32, #tpu.memory_space<vmem>>) offsets(%dma_start3A_303 : memref<128xi32, #tpu.memory_space<vmem>>) semaphore(%arg8 : memref<!tpu.dma_semaphore, #tpu.memory_space<semaphore_mem>>)
      } else {
      }
      %mul3A_137 = arith.constant 8 : i32
      %mul3A_138 = arith.muli %scan3A_88, %mul3A_137 : i32
      %add3A_139 = arith.constant 2 : i32
      %add3A_140 = arith.addi %mul3A_138, %add3A_139 : i32
      %mul3A_141 = arith.constant 128 : i32
      %mul3A_142 = arith.muli %add3A_140, %mul3A_141 : i32
      %dma_wait3A_143 = arith.constant 2 : i32
      %dma_wait3A_144 = arith.constant 0 : i32
      %dma_wait3A_145 = arith.constant 0 : i32
      %dma_wait3A_146 = tpu.memref_slice %arg6[%dma_wait3A_143, %dma_wait3A_144, %dma_wait3A_145] : memref<8x128x64xf32, #tpu.memory_space<vmem>> -> memref<1x128x64xf32, #tpu.memory_space<vmem>>
      %dma_wait3A_147 = tpu.memref_squeeze %dma_wait3A_146 : memref<1x128x64xf32, #tpu.memory_space<vmem>> -> memref<128x64xf32, #tpu.memory_space<vmem>>
      %dma_wait3A_148 = tpu.memref_slice %arg5[%mul3A_142] : memref<25600xi32, #tpu.memory_space<vmem>> -> memref<128xi32, #tpu.memory_space<vmem>>
      %dma_wait3A_149 = arith.constant 0 : i32
      %dma_wait3A_150 = arith.constant 0 : i32
      %dma_wait3A_151 = tpu.memref_slice %arg3[%dma_wait3A_149, %dma_wait3A_150] : memref<1000000x64xf32, #tpu.memory_space<hbm>> -> memref<1000000x64xf32, #tpu.memory_space<hbm>>
      tpu.wait_indirect_dma semaphore(%arg9 : memref<!tpu.dma_semaphore, #tpu.memory_space<semaphore_mem>>) src(%dma_wait3A_151 : memref<1000000x64xf32, #tpu.memory_space<hbm>>) dst(%dma_wait3A_147 : memref<128x64xf32, #tpu.memory_space<vmem>>)
      %mul3A_152 = arith.constant 128 : i32
      %mul3A_153 = arith.muli %add3A_140, %mul3A_152 : i32
      %add3A_154 = arith.addi %mul3A_2, %mul3A_153 : i32
      %run_scoped3A_155 = arith.constant 2 : i32
      "tpu.region"() ({
        %run_scoped3A_294 = tpu.sem_alloc : memref<!tpu.dma_semaphore, #tpu.memory_space<semaphore_mem>>
        %dma_start3A_295 = arith.constant 0 : i32
        %dma_start3A_296 = arith.constant 0 : i32
        %dma_start3A_297 = tpu.memref_slice %arg6[%run_scoped3A_155, %dma_start3A_295, %dma_start3A_296] : memref<8x128x64xf32, #tpu.memory_space<vmem>> -> memref<1x128x64xf32, #tpu.memory_space<vmem>>
        %dma_start3A_298 = tpu.memref_squeeze %dma_start3A_297 : memref<1x128x64xf32, #tpu.memory_space<vmem>> -> memref<128x64xf32, #tpu.memory_space<vmem>>
        %dma_start3A_299 = arith.constant 0 : i32
        %dma_start3A_300 = tpu.memref_slice %arg4[%add3A_154, %dma_start3A_299] : memref<819200x128xf32, #tpu.memory_space<hbm>> -> memref<128x64xf32, #tpu.memory_space<hbm>>
        %dma_start3A_301 = arith.constant 0 : i32
        %dma_start3A_302 = tpu.memref_slice %arg4[%add3A_154, %dma_start3A_301] : memref<819200x128xf32, #tpu.memory_space<hbm>> -> memref<128x64xf32, #tpu.memory_space<hbm>>
        %dma_start3A_303 = arith.constant 0 : i32
        %dma_start3A_304 = arith.constant 0 : i32
        %dma_start3A_305 = tpu.memref_slice %arg6[%run_scoped3A_155, %dma_start3A_303, %dma_start3A_304] : memref<8x128x64xf32, #tpu.memory_space<vmem>> -> memref<1x128x64xf32, #tpu.memory_space<vmem>>
        %dma_start3A_306 = tpu.memref_squeeze %dma_start3A_305 : memref<1x128x64xf32, #tpu.memory_space<vmem>> -> memref<128x64xf32, #tpu.memory_space<vmem>>
        tpu.enqueue_dma source(%dma_start3A_306 : memref<128x64xf32, #tpu.memory_space<vmem>>) target(%dma_start3A_302 : memref<128x64xf32, #tpu.memory_space<hbm>>) target_semaphore(%run_scoped3A_294 : memref<!tpu.dma_semaphore, #tpu.memory_space<semaphore_mem>>)
        %dma_wait3A_307 = arith.constant 0 : i32
        %dma_wait3A_308 = arith.constant 0 : i32
        %dma_wait3A_309 = tpu.memref_slice %arg6[%run_scoped3A_155, %dma_wait3A_307, %dma_wait3A_308] : memref<8x128x64xf32, #tpu.memory_space<vmem>> -> memref<1x128x64xf32, #tpu.memory_space<vmem>>
        %dma_wait3A_310 = tpu.memref_squeeze %dma_wait3A_309 : memref<1x128x64xf32, #tpu.memory_space<vmem>> -> memref<128x64xf32, #tpu.memory_space<vmem>>
        %dma_wait3A_311 = arith.constant 0 : i32
        %dma_wait3A_312 = tpu.memref_slice %arg4[%add3A_154, %dma_wait3A_311] : memref<819200x128xf32, #tpu.memory_space<hbm>> -> memref<128x64xf32, #tpu.memory_space<hbm>>
        %dma_wait3A_313 = arith.constant 0 : i32
        %dma_wait3A_314 = tpu.memref_slice %arg4[%add3A_154, %dma_wait3A_313] : memref<819200x128xf32, #tpu.memory_space<hbm>> -> memref<128x64xf32, #tpu.memory_space<hbm>>
        %dma_wait3A_315 = arith.constant 0 : i32
        %dma_wait3A_316 = arith.constant 0 : i32
        %dma_wait3A_317 = tpu.memref_slice %arg6[%run_scoped3A_155, %dma_wait3A_315, %dma_wait3A_316] : memref<8x128x64xf32, #tpu.memory_space<vmem>> -> memref<1x128x64xf32, #tpu.memory_space<vmem>>
        %dma_wait3A_318 = tpu.memref_squeeze %dma_wait3A_317 : memref<1x128x64xf32, #tpu.memory_space<vmem>> -> memref<128x64xf32, #tpu.memory_space<vmem>>
        tpu.wait_dma2 semaphore(%run_scoped3A_294 : memref<!tpu.dma_semaphore, #tpu.memory_space<semaphore_mem>>) src(%dma_wait3A_318 : memref<128x64xf32, #tpu.memory_space<vmem>>) dst(%dma_wait3A_314 : memref<128x64xf32, #tpu.memory_space<hbm>>)
        tpu.yield
      }) : () -> ()
      %add3A_156 = arith.constant 8 : i32
      %add3A_157 = arith.addi %add3A_140, %add3A_156 : i32
      %lt3A_158 = arith.constant 200 : i32
      %lt3A_159 = arith.cmpi slt, %add3A_157, %lt3A_158 : i32
      %convert_element_type3A_160 = arith.extui %lt3A_159 : i1 to i32
      %cond3A_161 = arith.constant 0 : i32
      %cond3A_162 = arith.cmpi ne, %convert_element_type3A_160, %cond3A_161 : i32
      scf.if %cond3A_162 {
        %add3A_294 = arith.constant 8 : i32
        %add3A_295 = arith.addi %add3A_140, %add3A_294 : i32
        %mul3A_296 = arith.constant 128 : i32
        %mul3A_297 = arith.muli %add3A_295, %mul3A_296 : i32
        %dma_start3A_298 = arith.constant 2 : i32
        %dma_start3A_299 = arith.constant 0 : i32
        %dma_start3A_300 = arith.constant 0 : i32
        %dma_start3A_301 = tpu.memref_slice %arg6[%dma_start3A_298, %dma_start3A_299, %dma_start3A_300] : memref<8x128x64xf32, #tpu.memory_space<vmem>> -> memref<1x128x64xf32, #tpu.memory_space<vmem>>
        %dma_start3A_302 = tpu.memref_squeeze %dma_start3A_301 : memref<1x128x64xf32, #tpu.memory_space<vmem>> -> memref<128x64xf32, #tpu.memory_space<vmem>>
        %dma_start3A_303 = tpu.memref_slice %arg5[%mul3A_297] : memref<25600xi32, #tpu.memory_space<vmem>> -> memref<128xi32, #tpu.memory_space<vmem>>
        %dma_start3A_304 = arith.constant 0 : i32
        %dma_start3A_305 = arith.constant 0 : i32
        %dma_start3A_306 = tpu.memref_slice %arg3[%dma_start3A_304, %dma_start3A_305] : memref<1000000x64xf32, #tpu.memory_space<hbm>> -> memref<1000000x64xf32, #tpu.memory_space<hbm>>
        tpu.enqueue_indirect_dma source(%dma_start3A_306 : memref<1000000x64xf32, #tpu.memory_space<hbm>>) target(%dma_start3A_302 : memref<128x64xf32, #tpu.memory_space<vmem>>) offsets(%dma_start3A_303 : memref<128xi32, #tpu.memory_space<vmem>>) semaphore(%arg9 : memref<!tpu.dma_semaphore, #tpu.memory_space<semaphore_mem>>)
      } else {
      }
      %mul3A_163 = arith.constant 8 : i32
      %mul3A_164 = arith.muli %scan3A_88, %mul3A_163 : i32
      %add3A_165 = arith.constant 3 : i32
      %add3A_166 = arith.addi %mul3A_164, %add3A_165 : i32
      %mul3A_167 = arith.constant 128 : i32
      %mul3A_168 = arith.muli %add3A_166, %mul3A_167 : i32
      %dma_wait3A_169 = arith.constant 3 : i32
      %dma_wait3A_170 = arith.constant 0 : i32
      %dma_wait3A_171 = arith.constant 0 : i32
      %dma_wait3A_172 = tpu.memref_slice %arg6[%dma_wait3A_169, %dma_wait3A_170, %dma_wait3A_171] : memref<8x128x64xf32, #tpu.memory_space<vmem>> -> memref<1x128x64xf32, #tpu.memory_space<vmem>>
      %dma_wait3A_173 = tpu.memref_squeeze %dma_wait3A_172 : memref<1x128x64xf32, #tpu.memory_space<vmem>> -> memref<128x64xf32, #tpu.memory_space<vmem>>
      %dma_wait3A_174 = tpu.memref_slice %arg5[%mul3A_168] : memref<25600xi32, #tpu.memory_space<vmem>> -> memref<128xi32, #tpu.memory_space<vmem>>
      %dma_wait3A_175 = arith.constant 0 : i32
      %dma_wait3A_176 = arith.constant 0 : i32
      %dma_wait3A_177 = tpu.memref_slice %arg3[%dma_wait3A_175, %dma_wait3A_176] : memref<1000000x64xf32, #tpu.memory_space<hbm>> -> memref<1000000x64xf32, #tpu.memory_space<hbm>>
      tpu.wait_indirect_dma semaphore(%arg10 : memref<!tpu.dma_semaphore, #tpu.memory_space<semaphore_mem>>) src(%dma_wait3A_177 : memref<1000000x64xf32, #tpu.memory_space<hbm>>) dst(%dma_wait3A_173 : memref<128x64xf32, #tpu.memory_space<vmem>>)
      %mul3A_178 = arith.constant 128 : i32
      %mul3A_179 = arith.muli %add3A_166, %mul3A_178 : i32
      %add3A_180 = arith.addi %mul3A_2, %mul3A_179 : i32
      %run_scoped3A_181 = arith.constant 3 : i32
      "tpu.region"() ({
        %run_scoped3A_294 = tpu.sem_alloc : memref<!tpu.dma_semaphore, #tpu.memory_space<semaphore_mem>>
        %dma_start3A_295 = arith.constant 0 : i32
        %dma_start3A_296 = arith.constant 0 : i32
        %dma_start3A_297 = tpu.memref_slice %arg6[%run_scoped3A_181, %dma_start3A_295, %dma_start3A_296] : memref<8x128x64xf32, #tpu.memory_space<vmem>> -> memref<1x128x64xf32, #tpu.memory_space<vmem>>
        %dma_start3A_298 = tpu.memref_squeeze %dma_start3A_297 : memref<1x128x64xf32, #tpu.memory_space<vmem>> -> memref<128x64xf32, #tpu.memory_space<vmem>>
        %dma_start3A_299 = arith.constant 0 : i32
        %dma_start3A_300 = tpu.memref_slice %arg4[%add3A_180, %dma_start3A_299] : memref<819200x128xf32, #tpu.memory_space<hbm>> -> memref<128x64xf32, #tpu.memory_space<hbm>>
        %dma_start3A_301 = arith.constant 0 : i32
        %dma_start3A_302 = tpu.memref_slice %arg4[%add3A_180, %dma_start3A_301] : memref<819200x128xf32, #tpu.memory_space<hbm>> -> memref<128x64xf32, #tpu.memory_space<hbm>>
        %dma_start3A_303 = arith.constant 0 : i32
        %dma_start3A_304 = arith.constant 0 : i32
        %dma_start3A_305 = tpu.memref_slice %arg6[%run_scoped3A_181, %dma_start3A_303, %dma_start3A_304] : memref<8x128x64xf32, #tpu.memory_space<vmem>> -> memref<1x128x64xf32, #tpu.memory_space<vmem>>
        %dma_start3A_306 = tpu.memref_squeeze %dma_start3A_305 : memref<1x128x64xf32, #tpu.memory_space<vmem>> -> memref<128x64xf32, #tpu.memory_space<vmem>>
        tpu.enqueue_dma source(%dma_start3A_306 : memref<128x64xf32, #tpu.memory_space<vmem>>) target(%dma_start3A_302 : memref<128x64xf32, #tpu.memory_space<hbm>>) target_semaphore(%run_scoped3A_294 : memref<!tpu.dma_semaphore, #tpu.memory_space<semaphore_mem>>)
        %dma_wait3A_307 = arith.constant 0 : i32
        %dma_wait3A_308 = arith.constant 0 : i32
        %dma_wait3A_309 = tpu.memref_slice %arg6[%run_scoped3A_181, %dma_wait3A_307, %dma_wait3A_308] : memref<8x128x64xf32, #tpu.memory_space<vmem>> -> memref<1x128x64xf32, #tpu.memory_space<vmem>>
        %dma_wait3A_310 = tpu.memref_squeeze %dma_wait3A_309 : memref<1x128x64xf32, #tpu.memory_space<vmem>> -> memref<128x64xf32, #tpu.memory_space<vmem>>
        %dma_wait3A_311 = arith.constant 0 : i32
        %dma_wait3A_312 = tpu.memref_slice %arg4[%add3A_180, %dma_wait3A_311] : memref<819200x128xf32, #tpu.memory_space<hbm>> -> memref<128x64xf32, #tpu.memory_space<hbm>>
        %dma_wait3A_313 = arith.constant 0 : i32
        %dma_wait3A_314 = tpu.memref_slice %arg4[%add3A_180, %dma_wait3A_313] : memref<819200x128xf32, #tpu.memory_space<hbm>> -> memref<128x64xf32, #tpu.memory_space<hbm>>
        %dma_wait3A_315 = arith.constant 0 : i32
        %dma_wait3A_316 = arith.constant 0 : i32
        %dma_wait3A_317 = tpu.memref_slice %arg6[%run_scoped3A_181, %dma_wait3A_315, %dma_wait3A_316] : memref<8x128x64xf32, #tpu.memory_space<vmem>> -> memref<1x128x64xf32, #tpu.memory_space<vmem>>
        %dma_wait3A_318 = tpu.memref_squeeze %dma_wait3A_317 : memref<1x128x64xf32, #tpu.memory_space<vmem>> -> memref<128x64xf32, #tpu.memory_space<vmem>>
        tpu.wait_dma2 semaphore(%run_scoped3A_294 : memref<!tpu.dma_semaphore, #tpu.memory_space<semaphore_mem>>) src(%dma_wait3A_318 : memref<128x64xf32, #tpu.memory_space<vmem>>) dst(%dma_wait3A_314 : memref<128x64xf32, #tpu.memory_space<hbm>>)
        tpu.yield
      }) : () -> ()
      %add3A_182 = arith.constant 8 : i32
      %add3A_183 = arith.addi %add3A_166, %add3A_182 : i32
      %lt3A_184 = arith.constant 200 : i32
      %lt3A_185 = arith.cmpi slt, %add3A_183, %lt3A_184 : i32
      %convert_element_type3A_186 = arith.extui %lt3A_185 : i1 to i32
      %cond3A_187 = arith.constant 0 : i32
      %cond3A_188 = arith.cmpi ne, %convert_element_type3A_186, %cond3A_187 : i32
      scf.if %cond3A_188 {
        %add3A_294 = arith.constant 8 : i32
        %add3A_295 = arith.addi %add3A_166, %add3A_294 : i32
        %mul3A_296 = arith.constant 128 : i32
        %mul3A_297 = arith.muli %add3A_295, %mul3A_296 : i32
        %dma_start3A_298 = arith.constant 3 : i32
        %dma_start3A_299 = arith.constant 0 : i32
        %dma_start3A_300 = arith.constant 0 : i32
        %dma_start3A_301 = tpu.memref_slice %arg6[%dma_start3A_298, %dma_start3A_299, %dma_start3A_300] : memref<8x128x64xf32, #tpu.memory_space<vmem>> -> memref<1x128x64xf32, #tpu.memory_space<vmem>>
        %dma_start3A_302 = tpu.memref_squeeze %dma_start3A_301 : memref<1x128x64xf32, #tpu.memory_space<vmem>> -> memref<128x64xf32, #tpu.memory_space<vmem>>
        %dma_start3A_303 = tpu.memref_slice %arg5[%mul3A_297] : memref<25600xi32, #tpu.memory_space<vmem>> -> memref<128xi32, #tpu.memory_space<vmem>>
        %dma_start3A_304 = arith.constant 0 : i32
        %dma_start3A_305 = arith.constant 0 : i32
        %dma_start3A_306 = tpu.memref_slice %arg3[%dma_start3A_304, %dma_start3A_305] : memref<1000000x64xf32, #tpu.memory_space<hbm>> -> memref<1000000x64xf32, #tpu.memory_space<hbm>>
        tpu.enqueue_indirect_dma source(%dma_start3A_306 : memref<1000000x64xf32, #tpu.memory_space<hbm>>) target(%dma_start3A_302 : memref<128x64xf32, #tpu.memory_space<vmem>>) offsets(%dma_start3A_303 : memref<128xi32, #tpu.memory_space<vmem>>) semaphore(%arg10 : memref<!tpu.dma_semaphore, #tpu.memory_space<semaphore_mem>>)
      } else {
      }
      %mul3A_189 = arith.constant 8 : i32
      %mul3A_190 = arith.muli %scan3A_88, %mul3A_189 : i32
      %add3A_191 = arith.constant 4 : i32
      %add3A_192 = arith.addi %mul3A_190, %add3A_191 : i32
      %mul3A_193 = arith.constant 128 : i32
      %mul3A_194 = arith.muli %add3A_192, %mul3A_193 : i32
      %dma_wait3A_195 = arith.constant 4 : i32
      %dma_wait3A_196 = arith.constant 0 : i32
      %dma_wait3A_197 = arith.constant 0 : i32
      %dma_wait3A_198 = tpu.memref_slice %arg6[%dma_wait3A_195, %dma_wait3A_196, %dma_wait3A_197] : memref<8x128x64xf32, #tpu.memory_space<vmem>> -> memref<1x128x64xf32, #tpu.memory_space<vmem>>
      %dma_wait3A_199 = tpu.memref_squeeze %dma_wait3A_198 : memref<1x128x64xf32, #tpu.memory_space<vmem>> -> memref<128x64xf32, #tpu.memory_space<vmem>>
      %dma_wait3A_200 = tpu.memref_slice %arg5[%mul3A_194] : memref<25600xi32, #tpu.memory_space<vmem>> -> memref<128xi32, #tpu.memory_space<vmem>>
      %dma_wait3A_201 = arith.constant 0 : i32
      %dma_wait3A_202 = arith.constant 0 : i32
      %dma_wait3A_203 = tpu.memref_slice %arg3[%dma_wait3A_201, %dma_wait3A_202] : memref<1000000x64xf32, #tpu.memory_space<hbm>> -> memref<1000000x64xf32, #tpu.memory_space<hbm>>
      tpu.wait_indirect_dma semaphore(%arg11 : memref<!tpu.dma_semaphore, #tpu.memory_space<semaphore_mem>>) src(%dma_wait3A_203 : memref<1000000x64xf32, #tpu.memory_space<hbm>>) dst(%dma_wait3A_199 : memref<128x64xf32, #tpu.memory_space<vmem>>)
      %mul3A_204 = arith.constant 128 : i32
      %mul3A_205 = arith.muli %add3A_192, %mul3A_204 : i32
      %add3A_206 = arith.addi %mul3A_2, %mul3A_205 : i32
      %run_scoped3A_207 = arith.constant 4 : i32
      "tpu.region"() ({
        %run_scoped3A_294 = tpu.sem_alloc : memref<!tpu.dma_semaphore, #tpu.memory_space<semaphore_mem>>
        %dma_start3A_295 = arith.constant 0 : i32
        %dma_start3A_296 = arith.constant 0 : i32
        %dma_start3A_297 = tpu.memref_slice %arg6[%run_scoped3A_207, %dma_start3A_295, %dma_start3A_296] : memref<8x128x64xf32, #tpu.memory_space<vmem>> -> memref<1x128x64xf32, #tpu.memory_space<vmem>>
        %dma_start3A_298 = tpu.memref_squeeze %dma_start3A_297 : memref<1x128x64xf32, #tpu.memory_space<vmem>> -> memref<128x64xf32, #tpu.memory_space<vmem>>
        %dma_start3A_299 = arith.constant 0 : i32
        %dma_start3A_300 = tpu.memref_slice %arg4[%add3A_206, %dma_start3A_299] : memref<819200x128xf32, #tpu.memory_space<hbm>> -> memref<128x64xf32, #tpu.memory_space<hbm>>
        %dma_start3A_301 = arith.constant 0 : i32
        %dma_start3A_302 = tpu.memref_slice %arg4[%add3A_206, %dma_start3A_301] : memref<819200x128xf32, #tpu.memory_space<hbm>> -> memref<128x64xf32, #tpu.memory_space<hbm>>
        %dma_start3A_303 = arith.constant 0 : i32
        %dma_start3A_304 = arith.constant 0 : i32
        %dma_start3A_305 = tpu.memref_slice %arg6[%run_scoped3A_207, %dma_start3A_303, %dma_start3A_304] : memref<8x128x64xf32, #tpu.memory_space<vmem>> -> memref<1x128x64xf32, #tpu.memory_space<vmem>>
        %dma_start3A_306 = tpu.memref_squeeze %dma_start3A_305 : memref<1x128x64xf32, #tpu.memory_space<vmem>> -> memref<128x64xf32, #tpu.memory_space<vmem>>
        tpu.enqueue_dma source(%dma_start3A_306 : memref<128x64xf32, #tpu.memory_space<vmem>>) target(%dma_start3A_302 : memref<128x64xf32, #tpu.memory_space<hbm>>) target_semaphore(%run_scoped3A_294 : memref<!tpu.dma_semaphore, #tpu.memory_space<semaphore_mem>>)
        %dma_wait3A_307 = arith.constant 0 : i32
        %dma_wait3A_308 = arith.constant 0 : i32
        %dma_wait3A_309 = tpu.memref_slice %arg6[%run_scoped3A_207, %dma_wait3A_307, %dma_wait3A_308] : memref<8x128x64xf32, #tpu.memory_space<vmem>> -> memref<1x128x64xf32, #tpu.memory_space<vmem>>
        %dma_wait3A_310 = tpu.memref_squeeze %dma_wait3A_309 : memref<1x128x64xf32, #tpu.memory_space<vmem>> -> memref<128x64xf32, #tpu.memory_space<vmem>>
        %dma_wait3A_311 = arith.constant 0 : i32
        %dma_wait3A_312 = tpu.memref_slice %arg4[%add3A_206, %dma_wait3A_311] : memref<819200x128xf32, #tpu.memory_space<hbm>> -> memref<128x64xf32, #tpu.memory_space<hbm>>
        %dma_wait3A_313 = arith.constant 0 : i32
        %dma_wait3A_314 = tpu.memref_slice %arg4[%add3A_206, %dma_wait3A_313] : memref<819200x128xf32, #tpu.memory_space<hbm>> -> memref<128x64xf32, #tpu.memory_space<hbm>>
        %dma_wait3A_315 = arith.constant 0 : i32
        %dma_wait3A_316 = arith.constant 0 : i32
        %dma_wait3A_317 = tpu.memref_slice %arg6[%run_scoped3A_207, %dma_wait3A_315, %dma_wait3A_316] : memref<8x128x64xf32, #tpu.memory_space<vmem>> -> memref<1x128x64xf32, #tpu.memory_space<vmem>>
        %dma_wait3A_318 = tpu.memref_squeeze %dma_wait3A_317 : memref<1x128x64xf32, #tpu.memory_space<vmem>> -> memref<128x64xf32, #tpu.memory_space<vmem>>
        tpu.wait_dma2 semaphore(%run_scoped3A_294 : memref<!tpu.dma_semaphore, #tpu.memory_space<semaphore_mem>>) src(%dma_wait3A_318 : memref<128x64xf32, #tpu.memory_space<vmem>>) dst(%dma_wait3A_314 : memref<128x64xf32, #tpu.memory_space<hbm>>)
        tpu.yield
      }) : () -> ()
      %add3A_208 = arith.constant 8 : i32
      %add3A_209 = arith.addi %add3A_192, %add3A_208 : i32
      %lt3A_210 = arith.constant 200 : i32
      %lt3A_211 = arith.cmpi slt, %add3A_209, %lt3A_210 : i32
      %convert_element_type3A_212 = arith.extui %lt3A_211 : i1 to i32
      %cond3A_213 = arith.constant 0 : i32
      %cond3A_214 = arith.cmpi ne, %convert_element_type3A_212, %cond3A_213 : i32
      scf.if %cond3A_214 {
        %add3A_294 = arith.constant 8 : i32
        %add3A_295 = arith.addi %add3A_192, %add3A_294 : i32
        %mul3A_296 = arith.constant 128 : i32
        %mul3A_297 = arith.muli %add3A_295, %mul3A_296 : i32
        %dma_start3A_298 = arith.constant 4 : i32
        %dma_start3A_299 = arith.constant 0 : i32
        %dma_start3A_300 = arith.constant 0 : i32
        %dma_start3A_301 = tpu.memref_slice %arg6[%dma_start3A_298, %dma_start3A_299, %dma_start3A_300] : memref<8x128x64xf32, #tpu.memory_space<vmem>> -> memref<1x128x64xf32, #tpu.memory_space<vmem>>
        %dma_start3A_302 = tpu.memref_squeeze %dma_start3A_301 : memref<1x128x64xf32, #tpu.memory_space<vmem>> -> memref<128x64xf32, #tpu.memory_space<vmem>>
        %dma_start3A_303 = tpu.memref_slice %arg5[%mul3A_297] : memref<25600xi32, #tpu.memory_space<vmem>> -> memref<128xi32, #tpu.memory_space<vmem>>
        %dma_start3A_304 = arith.constant 0 : i32
        %dma_start3A_305 = arith.constant 0 : i32
        %dma_start3A_306 = tpu.memref_slice %arg3[%dma_start3A_304, %dma_start3A_305] : memref<1000000x64xf32, #tpu.memory_space<hbm>> -> memref<1000000x64xf32, #tpu.memory_space<hbm>>
        tpu.enqueue_indirect_dma source(%dma_start3A_306 : memref<1000000x64xf32, #tpu.memory_space<hbm>>) target(%dma_start3A_302 : memref<128x64xf32, #tpu.memory_space<vmem>>) offsets(%dma_start3A_303 : memref<128xi32, #tpu.memory_space<vmem>>) semaphore(%arg11 : memref<!tpu.dma_semaphore, #tpu.memory_space<semaphore_mem>>)
      } else {
      }
      %mul3A_215 = arith.constant 8 : i32
      %mul3A_216 = arith.muli %scan3A_88, %mul3A_215 : i32
      %add3A_217 = arith.constant 5 : i32
      %add3A_218 = arith.addi %mul3A_216, %add3A_217 : i32
      %mul3A_219 = arith.constant 128 : i32
      %mul3A_220 = arith.muli %add3A_218, %mul3A_219 : i32
      %dma_wait3A_221 = arith.constant 5 : i32
      %dma_wait3A_222 = arith.constant 0 : i32
      %dma_wait3A_223 = arith.constant 0 : i32
      %dma_wait3A_224 = tpu.memref_slice %arg6[%dma_wait3A_221, %dma_wait3A_222, %dma_wait3A_223] : memref<8x128x64xf32, #tpu.memory_space<vmem>> -> memref<1x128x64xf32, #tpu.memory_space<vmem>>
      %dma_wait3A_225 = tpu.memref_squeeze %dma_wait3A_224 : memref<1x128x64xf32, #tpu.memory_space<vmem>> -> memref<128x64xf32, #tpu.memory_space<vmem>>
      %dma_wait3A_226 = tpu.memref_slice %arg5[%mul3A_220] : memref<25600xi32, #tpu.memory_space<vmem>> -> memref<128xi32, #tpu.memory_space<vmem>>
      %dma_wait3A_227 = arith.constant 0 : i32
      %dma_wait3A_228 = arith.constant 0 : i32
      %dma_wait3A_229 = tpu.memref_slice %arg3[%dma_wait3A_227, %dma_wait3A_228] : memref<1000000x64xf32, #tpu.memory_space<hbm>> -> memref<1000000x64xf32, #tpu.memory_space<hbm>>
      tpu.wait_indirect_dma semaphore(%arg12 : memref<!tpu.dma_semaphore, #tpu.memory_space<semaphore_mem>>) src(%dma_wait3A_229 : memref<1000000x64xf32, #tpu.memory_space<hbm>>) dst(%dma_wait3A_225 : memref<128x64xf32, #tpu.memory_space<vmem>>)
      %mul3A_230 = arith.constant 128 : i32
      %mul3A_231 = arith.muli %add3A_218, %mul3A_230 : i32
      %add3A_232 = arith.addi %mul3A_2, %mul3A_231 : i32
      %run_scoped3A_233 = arith.constant 5 : i32
      "tpu.region"() ({
        %run_scoped3A_294 = tpu.sem_alloc : memref<!tpu.dma_semaphore, #tpu.memory_space<semaphore_mem>>
        %dma_start3A_295 = arith.constant 0 : i32
        %dma_start3A_296 = arith.constant 0 : i32
        %dma_start3A_297 = tpu.memref_slice %arg6[%run_scoped3A_233, %dma_start3A_295, %dma_start3A_296] : memref<8x128x64xf32, #tpu.memory_space<vmem>> -> memref<1x128x64xf32, #tpu.memory_space<vmem>>
        %dma_start3A_298 = tpu.memref_squeeze %dma_start3A_297 : memref<1x128x64xf32, #tpu.memory_space<vmem>> -> memref<128x64xf32, #tpu.memory_space<vmem>>
        %dma_start3A_299 = arith.constant 0 : i32
        %dma_start3A_300 = tpu.memref_slice %arg4[%add3A_232, %dma_start3A_299] : memref<819200x128xf32, #tpu.memory_space<hbm>> -> memref<128x64xf32, #tpu.memory_space<hbm>>
        %dma_start3A_301 = arith.constant 0 : i32
        %dma_start3A_302 = tpu.memref_slice %arg4[%add3A_232, %dma_start3A_301] : memref<819200x128xf32, #tpu.memory_space<hbm>> -> memref<128x64xf32, #tpu.memory_space<hbm>>
        %dma_start3A_303 = arith.constant 0 : i32
        %dma_start3A_304 = arith.constant 0 : i32
        %dma_start3A_305 = tpu.memref_slice %arg6[%run_scoped3A_233, %dma_start3A_303, %dma_start3A_304] : memref<8x128x64xf32, #tpu.memory_space<vmem>> -> memref<1x128x64xf32, #tpu.memory_space<vmem>>
        %dma_start3A_306 = tpu.memref_squeeze %dma_start3A_305 : memref<1x128x64xf32, #tpu.memory_space<vmem>> -> memref<128x64xf32, #tpu.memory_space<vmem>>
        tpu.enqueue_dma source(%dma_start3A_306 : memref<128x64xf32, #tpu.memory_space<vmem>>) target(%dma_start3A_302 : memref<128x64xf32, #tpu.memory_space<hbm>>) target_semaphore(%run_scoped3A_294 : memref<!tpu.dma_semaphore, #tpu.memory_space<semaphore_mem>>)
        %dma_wait3A_307 = arith.constant 0 : i32
        %dma_wait3A_308 = arith.constant 0 : i32
        %dma_wait3A_309 = tpu.memref_slice %arg6[%run_scoped3A_233, %dma_wait3A_307, %dma_wait3A_308] : memref<8x128x64xf32, #tpu.memory_space<vmem>> -> memref<1x128x64xf32, #tpu.memory_space<vmem>>
        %dma_wait3A_310 = tpu.memref_squeeze %dma_wait3A_309 : memref<1x128x64xf32, #tpu.memory_space<vmem>> -> memref<128x64xf32, #tpu.memory_space<vmem>>
        %dma_wait3A_311 = arith.constant 0 : i32
        %dma_wait3A_312 = tpu.memref_slice %arg4[%add3A_232, %dma_wait3A_311] : memref<819200x128xf32, #tpu.memory_space<hbm>> -> memref<128x64xf32, #tpu.memory_space<hbm>>
        %dma_wait3A_313 = arith.constant 0 : i32
        %dma_wait3A_314 = tpu.memref_slice %arg4[%add3A_232, %dma_wait3A_313] : memref<819200x128xf32, #tpu.memory_space<hbm>> -> memref<128x64xf32, #tpu.memory_space<hbm>>
        %dma_wait3A_315 = arith.constant 0 : i32
        %dma_wait3A_316 = arith.constant 0 : i32
        %dma_wait3A_317 = tpu.memref_slice %arg6[%run_scoped3A_233, %dma_wait3A_315, %dma_wait3A_316] : memref<8x128x64xf32, #tpu.memory_space<vmem>> -> memref<1x128x64xf32, #tpu.memory_space<vmem>>
        %dma_wait3A_318 = tpu.memref_squeeze %dma_wait3A_317 : memref<1x128x64xf32, #tpu.memory_space<vmem>> -> memref<128x64xf32, #tpu.memory_space<vmem>>
        tpu.wait_dma2 semaphore(%run_scoped3A_294 : memref<!tpu.dma_semaphore, #tpu.memory_space<semaphore_mem>>) src(%dma_wait3A_318 : memref<128x64xf32, #tpu.memory_space<vmem>>) dst(%dma_wait3A_314 : memref<128x64xf32, #tpu.memory_space<hbm>>)
        tpu.yield
      }) : () -> ()
      %add3A_234 = arith.constant 8 : i32
      %add3A_235 = arith.addi %add3A_218, %add3A_234 : i32
      %lt3A_236 = arith.constant 200 : i32
      %lt3A_237 = arith.cmpi slt, %add3A_235, %lt3A_236 : i32
      %convert_element_type3A_238 = arith.extui %lt3A_237 : i1 to i32
      %cond3A_239 = arith.constant 0 : i32
      %cond3A_240 = arith.cmpi ne, %convert_element_type3A_238, %cond3A_239 : i32
      scf.if %cond3A_240 {
        %add3A_294 = arith.constant 8 : i32
        %add3A_295 = arith.addi %add3A_218, %add3A_294 : i32
        %mul3A_296 = arith.constant 128 : i32
        %mul3A_297 = arith.muli %add3A_295, %mul3A_296 : i32
        %dma_start3A_298 = arith.constant 5 : i32
        %dma_start3A_299 = arith.constant 0 : i32
        %dma_start3A_300 = arith.constant 0 : i32
        %dma_start3A_301 = tpu.memref_slice %arg6[%dma_start3A_298, %dma_start3A_299, %dma_start3A_300] : memref<8x128x64xf32, #tpu.memory_space<vmem>> -> memref<1x128x64xf32, #tpu.memory_space<vmem>>
        %dma_start3A_302 = tpu.memref_squeeze %dma_start3A_301 : memref<1x128x64xf32, #tpu.memory_space<vmem>> -> memref<128x64xf32, #tpu.memory_space<vmem>>
        %dma_start3A_303 = tpu.memref_slice %arg5[%mul3A_297] : memref<25600xi32, #tpu.memory_space<vmem>> -> memref<128xi32, #tpu.memory_space<vmem>>
        %dma_start3A_304 = arith.constant 0 : i32
        %dma_start3A_305 = arith.constant 0 : i32
        %dma_start3A_306 = tpu.memref_slice %arg3[%dma_start3A_304, %dma_start3A_305] : memref<1000000x64xf32, #tpu.memory_space<hbm>> -> memref<1000000x64xf32, #tpu.memory_space<hbm>>
        tpu.enqueue_indirect_dma source(%dma_start3A_306 : memref<1000000x64xf32, #tpu.memory_space<hbm>>) target(%dma_start3A_302 : memref<128x64xf32, #tpu.memory_space<vmem>>) offsets(%dma_start3A_303 : memref<128xi32, #tpu.memory_space<vmem>>) semaphore(%arg12 : memref<!tpu.dma_semaphore, #tpu.memory_space<semaphore_mem>>)
      } else {
      }
      %mul3A_241 = arith.constant 8 : i32
      %mul3A_242 = arith.muli %scan3A_88, %mul3A_241 : i32
      %add3A_243 = arith.constant 6 : i32
      %add3A_244 = arith.addi %mul3A_242, %add3A_243 : i32
      %mul3A_245 = arith.constant 128 : i32
      %mul3A_246 = arith.muli %add3A_244, %mul3A_245 : i32
      %dma_wait3A_247 = arith.constant 6 : i32
      %dma_wait3A_248 = arith.constant 0 : i32
      %dma_wait3A_249 = arith.constant 0 : i32
      %dma_wait3A_250 = tpu.memref_slice %arg6[%dma_wait3A_247, %dma_wait3A_248, %dma_wait3A_249] : memref<8x128x64xf32, #tpu.memory_space<vmem>> -> memref<1x128x64xf32, #tpu.memory_space<vmem>>
      %dma_wait3A_251 = tpu.memref_squeeze %dma_wait3A_250 : memref<1x128x64xf32, #tpu.memory_space<vmem>> -> memref<128x64xf32, #tpu.memory_space<vmem>>
      %dma_wait3A_252 = tpu.memref_slice %arg5[%mul3A_246] : memref<25600xi32, #tpu.memory_space<vmem>> -> memref<128xi32, #tpu.memory_space<vmem>>
      %dma_wait3A_253 = arith.constant 0 : i32
      %dma_wait3A_254 = arith.constant 0 : i32
      %dma_wait3A_255 = tpu.memref_slice %arg3[%dma_wait3A_253, %dma_wait3A_254] : memref<1000000x64xf32, #tpu.memory_space<hbm>> -> memref<1000000x64xf32, #tpu.memory_space<hbm>>
      tpu.wait_indirect_dma semaphore(%arg13 : memref<!tpu.dma_semaphore, #tpu.memory_space<semaphore_mem>>) src(%dma_wait3A_255 : memref<1000000x64xf32, #tpu.memory_space<hbm>>) dst(%dma_wait3A_251 : memref<128x64xf32, #tpu.memory_space<vmem>>)
      %mul3A_256 = arith.constant 128 : i32
      %mul3A_257 = arith.muli %add3A_244, %mul3A_256 : i32
      %add3A_258 = arith.addi %mul3A_2, %mul3A_257 : i32
      %run_scoped3A_259 = arith.constant 6 : i32
      "tpu.region"() ({
        %run_scoped3A_294 = tpu.sem_alloc : memref<!tpu.dma_semaphore, #tpu.memory_space<semaphore_mem>>
        %dma_start3A_295 = arith.constant 0 : i32
        %dma_start3A_296 = arith.constant 0 : i32
        %dma_start3A_297 = tpu.memref_slice %arg6[%run_scoped3A_259, %dma_start3A_295, %dma_start3A_296] : memref<8x128x64xf32, #tpu.memory_space<vmem>> -> memref<1x128x64xf32, #tpu.memory_space<vmem>>
        %dma_start3A_298 = tpu.memref_squeeze %dma_start3A_297 : memref<1x128x64xf32, #tpu.memory_space<vmem>> -> memref<128x64xf32, #tpu.memory_space<vmem>>
        %dma_start3A_299 = arith.constant 0 : i32
        %dma_start3A_300 = tpu.memref_slice %arg4[%add3A_258, %dma_start3A_299] : memref<819200x128xf32, #tpu.memory_space<hbm>> -> memref<128x64xf32, #tpu.memory_space<hbm>>
        %dma_start3A_301 = arith.constant 0 : i32
        %dma_start3A_302 = tpu.memref_slice %arg4[%add3A_258, %dma_start3A_301] : memref<819200x128xf32, #tpu.memory_space<hbm>> -> memref<128x64xf32, #tpu.memory_space<hbm>>
        %dma_start3A_303 = arith.constant 0 : i32
        %dma_start3A_304 = arith.constant 0 : i32
        %dma_start3A_305 = tpu.memref_slice %arg6[%run_scoped3A_259, %dma_start3A_303, %dma_start3A_304] : memref<8x128x64xf32, #tpu.memory_space<vmem>> -> memref<1x128x64xf32, #tpu.memory_space<vmem>>
        %dma_start3A_306 = tpu.memref_squeeze %dma_start3A_305 : memref<1x128x64xf32, #tpu.memory_space<vmem>> -> memref<128x64xf32, #tpu.memory_space<vmem>>
        tpu.enqueue_dma source(%dma_start3A_306 : memref<128x64xf32, #tpu.memory_space<vmem>>) target(%dma_start3A_302 : memref<128x64xf32, #tpu.memory_space<hbm>>) target_semaphore(%run_scoped3A_294 : memref<!tpu.dma_semaphore, #tpu.memory_space<semaphore_mem>>)
        %dma_wait3A_307 = arith.constant 0 : i32
        %dma_wait3A_308 = arith.constant 0 : i32
        %dma_wait3A_309 = tpu.memref_slice %arg6[%run_scoped3A_259, %dma_wait3A_307, %dma_wait3A_308] : memref<8x128x64xf32, #tpu.memory_space<vmem>> -> memref<1x128x64xf32, #tpu.memory_space<vmem>>
        %dma_wait3A_310 = tpu.memref_squeeze %dma_wait3A_309 : memref<1x128x64xf32, #tpu.memory_space<vmem>> -> memref<128x64xf32, #tpu.memory_space<vmem>>
        %dma_wait3A_311 = arith.constant 0 : i32
        %dma_wait3A_312 = tpu.memref_slice %arg4[%add3A_258, %dma_wait3A_311] : memref<819200x128xf32, #tpu.memory_space<hbm>> -> memref<128x64xf32, #tpu.memory_space<hbm>>
        %dma_wait3A_313 = arith.constant 0 : i32
        %dma_wait3A_314 = tpu.memref_slice %arg4[%add3A_258, %dma_wait3A_313] : memref<819200x128xf32, #tpu.memory_space<hbm>> -> memref<128x64xf32, #tpu.memory_space<hbm>>
        %dma_wait3A_315 = arith.constant 0 : i32
        %dma_wait3A_316 = arith.constant 0 : i32
        %dma_wait3A_317 = tpu.memref_slice %arg6[%run_scoped3A_259, %dma_wait3A_315, %dma_wait3A_316] : memref<8x128x64xf32, #tpu.memory_space<vmem>> -> memref<1x128x64xf32, #tpu.memory_space<vmem>>
        %dma_wait3A_318 = tpu.memref_squeeze %dma_wait3A_317 : memref<1x128x64xf32, #tpu.memory_space<vmem>> -> memref<128x64xf32, #tpu.memory_space<vmem>>
        tpu.wait_dma2 semaphore(%run_scoped3A_294 : memref<!tpu.dma_semaphore, #tpu.memory_space<semaphore_mem>>) src(%dma_wait3A_318 : memref<128x64xf32, #tpu.memory_space<vmem>>) dst(%dma_wait3A_314 : memref<128x64xf32, #tpu.memory_space<hbm>>)
        tpu.yield
      }) : () -> ()
      %add3A_260 = arith.constant 8 : i32
      %add3A_261 = arith.addi %add3A_244, %add3A_260 : i32
      %lt3A_262 = arith.constant 200 : i32
      %lt3A_263 = arith.cmpi slt, %add3A_261, %lt3A_262 : i32
      %convert_element_type3A_264 = arith.extui %lt3A_263 : i1 to i32
      %cond3A_265 = arith.constant 0 : i32
      %cond3A_266 = arith.cmpi ne, %convert_element_type3A_264, %cond3A_265 : i32
      scf.if %cond3A_266 {
        %add3A_294 = arith.constant 8 : i32
        %add3A_295 = arith.addi %add3A_244, %add3A_294 : i32
        %mul3A_296 = arith.constant 128 : i32
        %mul3A_297 = arith.muli %add3A_295, %mul3A_296 : i32
        %dma_start3A_298 = arith.constant 6 : i32
        %dma_start3A_299 = arith.constant 0 : i32
        %dma_start3A_300 = arith.constant 0 : i32
        %dma_start3A_301 = tpu.memref_slice %arg6[%dma_start3A_298, %dma_start3A_299, %dma_start3A_300] : memref<8x128x64xf32, #tpu.memory_space<vmem>> -> memref<1x128x64xf32, #tpu.memory_space<vmem>>
        %dma_start3A_302 = tpu.memref_squeeze %dma_start3A_301 : memref<1x128x64xf32, #tpu.memory_space<vmem>> -> memref<128x64xf32, #tpu.memory_space<vmem>>
        %dma_start3A_303 = tpu.memref_slice %arg5[%mul3A_297] : memref<25600xi32, #tpu.memory_space<vmem>> -> memref<128xi32, #tpu.memory_space<vmem>>
        %dma_start3A_304 = arith.constant 0 : i32
        %dma_start3A_305 = arith.constant 0 : i32
        %dma_start3A_306 = tpu.memref_slice %arg3[%dma_start3A_304, %dma_start3A_305] : memref<1000000x64xf32, #tpu.memory_space<hbm>> -> memref<1000000x64xf32, #tpu.memory_space<hbm>>
        tpu.enqueue_indirect_dma source(%dma_start3A_306 : memref<1000000x64xf32, #tpu.memory_space<hbm>>) target(%dma_start3A_302 : memref<128x64xf32, #tpu.memory_space<vmem>>) offsets(%dma_start3A_303 : memref<128xi32, #tpu.memory_space<vmem>>) semaphore(%arg13 : memref<!tpu.dma_semaphore, #tpu.memory_space<semaphore_mem>>)
      } else {
      }
      %mul3A_267 = arith.constant 8 : i32
      %mul3A_268 = arith.muli %scan3A_88, %mul3A_267 : i32
      %add3A_269 = arith.constant 7 : i32
      %add3A_270 = arith.addi %mul3A_268, %add3A_269 : i32
      %mul3A_271 = arith.constant 128 : i32
      %mul3A_272 = arith.muli %add3A_270, %mul3A_271 : i32
      %dma_wait3A_273 = arith.constant 7 : i32
      %dma_wait3A_274 = arith.constant 0 : i32
      %dma_wait3A_275 = arith.constant 0 : i32
      %dma_wait3A_276 = tpu.memref_slice %arg6[%dma_wait3A_273, %dma_wait3A_274, %dma_wait3A_275] : memref<8x128x64xf32, #tpu.memory_space<vmem>> -> memref<1x128x64xf32, #tpu.memory_space<vmem>>
      %dma_wait3A_277 = tpu.memref_squeeze %dma_wait3A_276 : memref<1x128x64xf32, #tpu.memory_space<vmem>> -> memref<128x64xf32, #tpu.memory_space<vmem>>
      %dma_wait3A_278 = tpu.memref_slice %arg5[%mul3A_272] : memref<25600xi32, #tpu.memory_space<vmem>> -> memref<128xi32, #tpu.memory_space<vmem>>
      %dma_wait3A_279 = arith.constant 0 : i32
      %dma_wait3A_280 = arith.constant 0 : i32
      %dma_wait3A_281 = tpu.memref_slice %arg3[%dma_wait3A_279, %dma_wait3A_280] : memref<1000000x64xf32, #tpu.memory_space<hbm>> -> memref<1000000x64xf32, #tpu.memory_space<hbm>>
      tpu.wait_indirect_dma semaphore(%arg14 : memref<!tpu.dma_semaphore, #tpu.memory_space<semaphore_mem>>) src(%dma_wait3A_281 : memref<1000000x64xf32, #tpu.memory_space<hbm>>) dst(%dma_wait3A_277 : memref<128x64xf32, #tpu.memory_space<vmem>>)
      %mul3A_282 = arith.constant 128 : i32
      %mul3A_283 = arith.muli %add3A_270, %mul3A_282 : i32
      %add3A_284 = arith.addi %mul3A_2, %mul3A_283 : i32
      %run_scoped3A_285 = arith.constant 7 : i32
      "tpu.region"() ({
        %run_scoped3A_294 = tpu.sem_alloc : memref<!tpu.dma_semaphore, #tpu.memory_space<semaphore_mem>>
        %dma_start3A_295 = arith.constant 0 : i32
        %dma_start3A_296 = arith.constant 0 : i32
        %dma_start3A_297 = tpu.memref_slice %arg6[%run_scoped3A_285, %dma_start3A_295, %dma_start3A_296] : memref<8x128x64xf32, #tpu.memory_space<vmem>> -> memref<1x128x64xf32, #tpu.memory_space<vmem>>
        %dma_start3A_298 = tpu.memref_squeeze %dma_start3A_297 : memref<1x128x64xf32, #tpu.memory_space<vmem>> -> memref<128x64xf32, #tpu.memory_space<vmem>>
        %dma_start3A_299 = arith.constant 0 : i32
        %dma_start3A_300 = tpu.memref_slice %arg4[%add3A_284, %dma_start3A_299] : memref<819200x128xf32, #tpu.memory_space<hbm>> -> memref<128x64xf32, #tpu.memory_space<hbm>>
        %dma_start3A_301 = arith.constant 0 : i32
        %dma_start3A_302 = tpu.memref_slice %arg4[%add3A_284, %dma_start3A_301] : memref<819200x128xf32, #tpu.memory_space<hbm>> -> memref<128x64xf32, #tpu.memory_space<hbm>>
        %dma_start3A_303 = arith.constant 0 : i32
        %dma_start3A_304 = arith.constant 0 : i32
        %dma_start3A_305 = tpu.memref_slice %arg6[%run_scoped3A_285, %dma_start3A_303, %dma_start3A_304] : memref<8x128x64xf32, #tpu.memory_space<vmem>> -> memref<1x128x64xf32, #tpu.memory_space<vmem>>
        %dma_start3A_306 = tpu.memref_squeeze %dma_start3A_305 : memref<1x128x64xf32, #tpu.memory_space<vmem>> -> memref<128x64xf32, #tpu.memory_space<vmem>>
        tpu.enqueue_dma source(%dma_start3A_306 : memref<128x64xf32, #tpu.memory_space<vmem>>) target(%dma_start3A_302 : memref<128x64xf32, #tpu.memory_space<hbm>>) target_semaphore(%run_scoped3A_294 : memref<!tpu.dma_semaphore, #tpu.memory_space<semaphore_mem>>)
        %dma_wait3A_307 = arith.constant 0 : i32
        %dma_wait3A_308 = arith.constant 0 : i32
        %dma_wait3A_309 = tpu.memref_slice %arg6[%run_scoped3A_285, %dma_wait3A_307, %dma_wait3A_308] : memref<8x128x64xf32, #tpu.memory_space<vmem>> -> memref<1x128x64xf32, #tpu.memory_space<vmem>>
        %dma_wait3A_310 = tpu.memref_squeeze %dma_wait3A_309 : memref<1x128x64xf32, #tpu.memory_space<vmem>> -> memref<128x64xf32, #tpu.memory_space<vmem>>
        %dma_wait3A_311 = arith.constant 0 : i32
        %dma_wait3A_312 = tpu.memref_slice %arg4[%add3A_284, %dma_wait3A_311] : memref<819200x128xf32, #tpu.memory_space<hbm>> -> memref<128x64xf32, #tpu.memory_space<hbm>>
        %dma_wait3A_313 = arith.constant 0 : i32
        %dma_wait3A_314 = tpu.memref_slice %arg4[%add3A_284, %dma_wait3A_313] : memref<819200x128xf32, #tpu.memory_space<hbm>> -> memref<128x64xf32, #tpu.memory_space<hbm>>
        %dma_wait3A_315 = arith.constant 0 : i32
        %dma_wait3A_316 = arith.constant 0 : i32
        %dma_wait3A_317 = tpu.memref_slice %arg6[%run_scoped3A_285, %dma_wait3A_315, %dma_wait3A_316] : memref<8x128x64xf32, #tpu.memory_space<vmem>> -> memref<1x128x64xf32, #tpu.memory_space<vmem>>
        %dma_wait3A_318 = tpu.memref_squeeze %dma_wait3A_317 : memref<1x128x64xf32, #tpu.memory_space<vmem>> -> memref<128x64xf32, #tpu.memory_space<vmem>>
        tpu.wait_dma2 semaphore(%run_scoped3A_294 : memref<!tpu.dma_semaphore, #tpu.memory_space<semaphore_mem>>) src(%dma_wait3A_318 : memref<128x64xf32, #tpu.memory_space<vmem>>) dst(%dma_wait3A_314 : memref<128x64xf32, #tpu.memory_space<hbm>>)
        tpu.yield
      }) : () -> ()
      %add3A_286 = arith.constant 8 : i32
      %add3A_287 = arith.addi %add3A_270, %add3A_286 : i32
      %lt3A_288 = arith.constant 200 : i32
      %lt3A_289 = arith.cmpi slt, %add3A_287, %lt3A_288 : i32
      %convert_element_type3A_290 = arith.extui %lt3A_289 : i1 to i32
      %cond3A_291 = arith.constant 0 : i32
      %cond3A_292 = arith.cmpi ne, %convert_element_type3A_290, %cond3A_291 : i32
      scf.if %cond3A_292 {
        %add3A_294 = arith.constant 8 : i32
        %add3A_295 = arith.addi %add3A_270, %add3A_294 : i32
        %mul3A_296 = arith.constant 128 : i32
        %mul3A_297 = arith.muli %add3A_295, %mul3A_296 : i32
        %dma_start3A_298 = arith.constant 7 : i32
        %dma_start3A_299 = arith.constant 0 : i32
        %dma_start3A_300 = arith.constant 0 : i32
        %dma_start3A_301 = tpu.memref_slice %arg6[%dma_start3A_298, %dma_start3A_299, %dma_start3A_300] : memref<8x128x64xf32, #tpu.memory_space<vmem>> -> memref<1x128x64xf32, #tpu.memory_space<vmem>>
        %dma_start3A_302 = tpu.memref_squeeze %dma_start3A_301 : memref<1x128x64xf32, #tpu.memory_space<vmem>> -> memref<128x64xf32, #tpu.memory_space<vmem>>
        %dma_start3A_303 = tpu.memref_slice %arg5[%mul3A_297] : memref<25600xi32, #tpu.memory_space<vmem>> -> memref<128xi32, #tpu.memory_space<vmem>>
        %dma_start3A_304 = arith.constant 0 : i32
        %dma_start3A_305 = arith.constant 0 : i32
        %dma_start3A_306 = tpu.memref_slice %arg3[%dma_start3A_304, %dma_start3A_305] : memref<1000000x64xf32, #tpu.memory_space<hbm>> -> memref<1000000x64xf32, #tpu.memory_space<hbm>>
        tpu.enqueue_indirect_dma source(%dma_start3A_306 : memref<1000000x64xf32, #tpu.memory_space<hbm>>) target(%dma_start3A_302 : memref<128x64xf32, #tpu.memory_space<vmem>>) offsets(%dma_start3A_303 : memref<128xi32, #tpu.memory_space<vmem>>) semaphore(%arg14 : memref<!tpu.dma_semaphore, #tpu.memory_space<semaphore_mem>>)
      } else {
      }
      %scan3A_293 = arith.constant 0 : i32
      scf.yield %scan3A_293 : i32
    }
    %scan3A_87 = arith.constant 25 : i32
    return
  }
}

</mosaic_0001>

<sc_bundles>
// kernel: kernel.3.cloned.1.call-start
scs
__scs_entry_jumppad:
0x0: {  	(pc) =	sbr.rel $0x88, $3  }
0x1: {  	(tag) =	ssettag $0x0;
	lr =	simm.s32 $0x1  }
0x2: {  	[smem:$0x3F9F] =	sst lr;
	_ =	strace $0xD0000000  }
0x3: {  	_ = 	snop  }
0x4: {  	_ = 	snop  }
0x5: {  	_ = 	snop  }
0x6: {  	_ = 	snop  }
0x7: {  	_ = 	snop  }
__scs_overlays_trampoline_lowered:
0x8: {  	[smem:$0x3FAE] =	sst s0  }
0x9: {  	[smem:$0x3FAF] =	sst s1  }
0xa: {  	[smem:$0x3FB0] =	sst s2  }
0xb: {  	[smem:$0x3FB1] =	sst s3  }
0xc: {  	[smem:$0x3FB2] =	sst s4  }
0xd: {  	[smem:$0x3FB3] =	sst s5  }
0xe: {  	[smem:$0x3FB4] =	sst s6  }
0xf: {  	[smem:$0x3FB5] =	sst s7  }
0x10: {  	[smem:$0x3FB6] =	sst s8  }
0x11: {  	[smem:$0x3FB7] =	sst s9;
	s0 =	simm.s32 @!p0 $0x0  }
0x12: {  	s1 =	sld [smem:$0x3F9D];
	s0 =	simm.s32 @p0 $0x1  }
0x13: {  	[smem:$0x3FB8] =	sst s0;
	s0 =	simm.s32 @!p1 $0x0  }
0x14: {  	s2 =	sld [smem:$0x3F9C];
	s0 =	simm.s32 @p1 $0x1  }
0x15: {  	[smem:$0x3FB9] =	sst s0;
	s0 =	simm.s32 @!p2 $0x0  }
0x16: {  	s3 =	sld [smem:$0x3FDB];
	s0 =	simm.s32 @p2 $0x1  }
0x17: {  	s4 =	simm.s32 $0x1BF5;
	[smem:$0x3FBB] =	sst s0  }
0x18: {  	s0 =	sld [smem:$0x3F9E];
	_ =	swait.ge [sflag:s4], $0x0  }
0x19: {  	s7 =	sld [smem:$0x3F9F]  }
0x1a: {  	s8 =	sadd.s32 $0xFFFFE003, lr  }
0x1b: {  	s9 =	sadd.s32 $0xFFFFFEF7, lr;
	s5 =	simm.s32 $0xFFFFFFFF;
	p2 =	slt.u32 s8, $0xFFFFF086  }
0x1c: {  	p1 =	slt.u32 s9, $0xF7A;
	s5 =	simm.s32 @!p2 $0x0  }
0x1d: {  	s5 =	simm.s32 @p1 $0x1;
	p0 =	seq.s32 s7, s2  }
0x1e: {  	s7 =	smul.u32 @!p0 $0xF7A, s2;
	p2 =	seq.s32 @!p0 s5, $0x0  }
0x1f: {  	s9 =	smul.u32 $0xF7A, s1;
	s8 =	simm.s32 @!p0 $0x1BF5;
	p2 =	por !p2, p0  }
0x20: {  	[sflag:s8] =	ssyncset.s32 @!p0 $0xFFFFF086;
	s6 =	sadd.s32 @!p0 s3, s7;
	s7 =	simm.s32 @!p0 $0x108  }
0x21: {  	s3 =	sadd.s32 s3, s9;
	s6 =	sadd.s32 @!p0 $0x88, s6;
	s7 =	simm.s32 @p2 $0x1082  }
0x22: {  	[simem:s7], [sflag:s8] =	dma.local @!p0 [hbm:s6], $0xF7A  }
0x23: {  	s9 =	sor.u32 $0xD0000000, s2;
	s6 =	simm.s32 $0x108;
	_ =	swait.ge @!p0 [sflag:s8], $0x0  }
0x24: {  	s3 =	sadd.s32 $0x88, s3;
	s6 =	simm.s32 @!p1 $0x1082;
	[sflag:s4] =	ssyncset.s32 $0xFFFFF086  }
0x25: {  	[simem:s6], [sflag:s4] =	dma.local [hbm:s3], $0xF7A  }
0x26: {  	[smem:$0x3F9F] =	sst s1;
	(tag) =	ssettag s2;
	_ =	strace s9  }
0x27: {  	s1 =	sld [smem:$0x3FAF]  }
0x28: {  	s2 =	sld [smem:$0x3FB0]  }
0x29: {  	s4 =	sld [smem:$0x3FB2]  }
0x2a: {  	p0 =	seq.s32 s5, $0x0;
	s5 =	sld [smem:$0x3FB3]  }
0x2b: {  	s6 =	sld [smem:$0x3FB4]  }
0x2c: {  	s7 =	sld [smem:$0x3FB5]  }
0x2d: {  	s3 =	simm.s32 $0x108;
	s8 =	sld [smem:$0x3FB6]  }
0x2e: {  	s3 =	simm.s32 @!p0 $0x1082;
	s9 =	sld [smem:$0x3FB7]  }
0x2f: {  	lr =	sadd.s32 s0, s3;
	s0 =	sld [smem:$0x3FAE]  }
0x30: {  	s3 =	sld [smem:$0x3FB1]  }
0x31: {  	[smem:$0x3FBA] =	sst s10  }
0x32: {  	s10 =	sld [smem:$0x3FB8];
	_ =	sdelay $0x3  }
0x33: {  	p0 =	seq.s32 s10, $0x1;
	s10 =	sld [smem:$0x3FBA];
	_ =	sdelay $0x3  }
0x34: {  	[smem:$0x3FBA] =	sst s10  }
0x35: {  	s10 =	sld [smem:$0x3FB9];
	_ =	sdelay $0x3  }
0x36: {  	p1 =	seq.s32 s10, $0x1;
	s10 =	sld [smem:$0x3FBA];
	_ =	sdelay $0x3  }
0x37: {  	[smem:$0x3FBA] =	sst s10  }
0x38: {  	s10 =	sld [smem:$0x3FBB]  }
0x39: {  	_ = 	snop;
	(pc) =	sbr.ind lr, $3  }
0x3a: {  	_ = 	snop  }
0x3b: {  	_ = 	snop  }
0x3c: {  	p2 =	seq.s32 s10, $0x1;
	s10 =	sld [smem:$0x3FBA]  }
0x3d: {  	_ =	shalt  }
0x3e: {  	_ =	shalt  }
0x3f: {  	_ =	shalt  }
0x40: {  	_ =	shalt  }
0x41: {  	_ =	shalt  }
0x42: {  	_ =	shalt  }
0x43: {  	_ =	shalt  }
0x44: {  	_ =	shalt  }
0x45: {  	_ =	shalt  }
0x46: {  	_ =	shalt  }
0x47: {  	_ =	shalt  }
0x48: {  	_ =	shalt  }
0x49: {  	_ =	shalt  }
0x4a: {  	_ =	shalt  }
0x4b: {  	_ =	shalt  }
0x4c: {  	_ =	shalt  }
0x4d: {  	_ =	shalt  }
0x4e: {  	_ =	shalt  }
0x4f: {  	_ =	shalt  }
0x50: {  	_ =	shalt  }
0x51: {  	_ =	shalt  }
0x52: {  	_ =	shalt  }
0x53: {  	_ =	shalt  }
0x54: {  	_ =	shalt  }
0x55: {  	_ =	shalt  }
0x56: {  	_ =	shalt  }
0x57: {  	_ =	shalt  }
0x58: {  	_ =	shalt  }
0x59: {  	_ =	shalt  }
0x5a: {  	_ =	shalt  }
0x5b: {  	_ =	shalt  }
0x5c: {  	_ =	shalt  }
0x5d: {  	_ =	shalt  }
0x5e: {  	_ =	shalt  }
0x5f: {  	_ =	shalt  }
0x60: {  	_ =	shalt  }
0x61: {  	_ =	shalt  }
0x62: {  	_ =	shalt  }
0x63: {  	_ =	shalt  }
0x64: {  	_ =	shalt  }
0x65: {  	_ =	shalt  }
0x66: {  	_ =	shalt  }
0x67: {  	_ =	shalt  }
0x68: {  	_ =	shalt  }
0x69: {  	_ =	shalt  }
0x6a: {  	_ =	shalt  }
0x6b: {  	_ =	shalt  }
0x6c: {  	_ =	shalt  }
0x6d: {  	_ =	shalt  }
0x6e: {  	_ =	shalt  }
0x6f: {  	_ =	shalt  }
0x70: {  	_ =	shalt  }
0x71: {  	_ =	shalt  }
0x72: {  	_ =	shalt  }
0x73: {  	_ =	shalt  }
0x74: {  	_ =	shalt  }
0x75: {  	_ =	shalt  }
0x76: {  	_ =	shalt  }
0x77: {  	_ =	shalt  }
0x78: {  	_ =	shalt  }
0x79: {  	_ =	shalt  }
0x7a: {  	_ =	shalt  }
0x7b: {  	_ =	shalt  }
0x7c: {  	_ =	shalt  }
0x7d: {  	_ =	shalt  }
0x7e: {  	_ =	shalt  }
0x7f: {  	_ =	shalt  }
0x80: {  	_ =	shalt  }
0x81: {  	_ =	shalt  }
0x82: {  	_ =	shalt  }
0x83: {  	_ =	shalt  }
0x84: {  	_ =	shalt  }
0x85: {  	_ =	shalt  }
0x86: {  	_ =	shalt  }
0x87: {  	_ =	shalt  }
.Lfunc_end0:
.L_simem_size_0:
called_computation.1_lowered:
.L_overlay_start_0:
0x88: {  	s2 =	sld [smem:$0x3FD9]  }
0x89: {  	s3 =	sld [smem:$0x3FFE];
	_ =	sdelay $0x1  }
0x8a: {  	s1 =	srdreg.scid  }
0x8b: {  	s0 =	sand.u32 $0x1, s1  }
0x8c: {  	s17 =	sshll.u32 s0, $0xA;
	s2 =	sadd.s32 s3, s2  }
0x8d: {  	s2 =	sadd.s32 s2, s17  }
0x8e: {  	[smem:$0x3FC6] =	sst s2  }
0x8f: {  	_ = 	snop  }
0x90: {  	s2 =	sld [smem:$0x3FC9];
	(tm) =	ssettm $0x1  }
0x91: {  	s18 =	sld [smem:$0x3FFB];
	_ =	sdelay $0x3  }
0x92: {  	_ =	strace s18  }
0x93: {  	s3 =	sld [smem:$0x3FFC];
	_ =	sdelay $0x3  }
0x94: {  	_ =	strace s3  }
0x95: {  	s3 =	sld [smem:$0x3FFD];
	_ =	sdelay $0x3  }
0x96: {  	_ =	strace s3  }
0x97: {  	_ =	strace $0x8FFFFFFF  }
0x98: {  	s19 =	sld [smem:$0x3FDB];
	_ =	sdelay $0x1  }
0x99: {  	s4 =	simm.s32 $_scs_section_size  }
0x9a: {  	s5 =	simm.s32 $_size__tile_overlayer_lowered;
	s6 =	simm.s32 $_tile_overlayer_lowered  }
0x9b: {  	s22 =	simm.s32 $0x1BFF;
	s21 =	sshll.u32 s6, $0x1;
	s3 =	sadd.s32 s4, s19  }
0x9c: {  	s7 =	simm.s32 $0x0;
	s20 =	sshll.u32 s5, $0x1;
	s5 =	sadd.s32 s21, s3  }
0x9d: {  	[timem:s7], [sflag:s22] =	dma.local [hbm:s5], s20  }
0x9e: {  	_ =	swait.ge [sflag:s22], s20  }
0x9f: {  	s4 =	ssub.s32 $0x0, s20;
	[sflag:s22] =	ssyncset.done $0x0  }
0xa0: {  	[sflag:s22] =	ssyncadd.s32 s4;
	_ =	sdelay $0x1  }
0xa1: {  	s23 =	simm.s32 $0x1B8B  }
0xa2: {  	_ =	swait.ge [sflag:s23], $0x1  }
0xa3: {  	[sflag:s23] =	ssyncset.done $0x0  }
0xa4: {  	s25 =	simm.s32 $0x1B8E;
	s24 =	sld [smem:$0x3FFE];
	[sflag:s23] =	ssyncadd.s32 $0xFFFFFFFF  }
0xa5: {  	s26 =	simm.s32 $execute0_lowered;
	[smem:$0x3FD2] =	sst s25  }
0xa6: {  	s5 =	sshll.u32 s26, $0x1;
	_ =	strace $0x80000046;
	[dreg:$0x1] =	wrdreg $0xFFFFFFFF  }
0xa7: {  	s28 =	simm.s32 $_size_execute0_lowered;
	s3 =	sadd.s32 s3, s5;
	[dreg:$0x0] =	wrdreg $0x0  }
0xa8: {  	s5 =	sshll.u32 s28, $0x1;
	[dreg:$0x2] =	wrdreg s3  }
0xa9: {  	[dreg:$0x3] =	wrdreg s5  }
0xaa: {  	[dreg:$0x4] =	wrdreg $0xC0  }
0xab: {  	_ =	task [dreg:s7], $0x5FFFF  }
0xac: {  	[dreg:$0x1] =	wrdreg $0xFFFFFFFF  }
0xad: {  	[dreg:$0x0] =	wrdreg $0x60  }
0xae: {  	[dreg:$0x2] =	wrdreg s2  }
0xaf: {  	[dreg:$0x3] =	wrdreg s24  }
0xb0: {  	[dreg:$0x4] =	wrdreg $0x9  }
0xb1: {  	_ =	task.clear_ibuf [dreg:s7], $0x5FFFF;
	_ =	strace $0x90000046  }
0xb2: {  	s29 =	simm.s32 $0x9;
	_ =	strace $0x80000048  }
0xb3: {  	_ =	swait.ge [sflag:s29], $0x1  }
0xb4: {  	[sflag:s29] =	ssyncadd.s32 $0xFFFFFFFF  }
0xb5: {  	_ =	strace $0x90000048  }
0xb6: {  	_ =	sfence  }
0xb7: {  	s30 =	sld [smem:$0x0];
	_ =	sdelay $0x2  }
0xb8: {  	s31 =	sshll.u32 s1, $0xD;
	s1 =	sshrl.u32 s1, $0x2  }
0xb9: {  	s3 =	sand.u32 $0x4000, s31;
	s1 =	sadd.s32 s1, s30  }
0xba: {  	s0 =	sor.u32 s3, s0;
	s1 =	sshll.u32 s1, $0x11  }
0xbb: {  	s0 =	sor.u32 s1, s0  }
0xbc: {  	s0 =	sadd.s32 $0x8F2B, s0  }
0xbd: {  	[sflag:s0] =	ssyncadd.remote.s32 $0x1  }
0xbe: {  	_ =	sfence.sel $0xFFFF  }
0xbf: {  	[dreg:$0x0] =	wrdreg $0xFFFFFFFF;
	(pc) =	sbr.abs _section_cstart, $3  }
0xc0: {  	[dreg:$0x1] =	wrdreg $0xFFFFFFFF  }
0xc1: {  	_ =	task.clear_ibuf [dreg:s7], $0x2FFFF;
	_ =	strace $0x9FFFFFFF  }
0xc2: {  	(tm) =	ssettm $0x7FFFFFFF  }
0xc3: {  	_ =	shalt  }
tec
execute0_lowered:
.L_overlay_start_1:
0x0: {  	(tag) =	ssettag $0x1  }
0x1: {  	s0 =	srdreg.scid  }
0x2: {  	s3 =	stileid.u32;
	s2 =	rddreg [dreg:$0x0]  }
0x3: {  	s4 =	rddreg [dreg:$0x1];
	s7 =	simm.s32 $0x0;
	s14 =	simm.s32 $0x9  }
0x4: {  	s15 =	simm.s32 $0x80;
	s19 =	simm.s32 $0xA400;
	s21 =	simm.s32 $0xC400  }
0x5: {  	s23 =	simm.s32 $0xE400;
	s28 =	simm.s32 $0x12400;
	s30 =	simm.s32 $0x14400  }
0x6: {  	s31 =	simm.s32 $0x1;
	s18 =	simm.s32 $0x3;
	s20 =	simm.s32 $0x4  }
0x7: {  	s22 =	simm.s32 $0x5;
	s29 =	simm.s32 $0x8;
	s5 =	smul.u32 $0x640000, s3  }
0x8: {  	s0 =	sand.u32 $0x1, s0;
	s1 =	sshll.u32 s3, $0x1;
	s8 =	smul.u32 $0xC800, s3  }
0x9: {  	[smem:$0x7FF] =	sst s7;
	s3 =	sadd.s32 $0xF42C00, s4;
	s6 =	smul.u32 $0x320000, s0  }
0xa: {  	s1 =	sor.u32 s0, s1;
	s24 =	ssub.s32 $0x2, s0;
	s0 =	smul.u32 $0x6400, s0  }
0xb: {  	s4 =	sadd.s32 $0x800, s4;
	s1 =	smul.u32 $0x6400, s1;
	s9 =	sshrl.u32 s24, $0x1  }
0xc: {  	_ =	strace $0x80000047;
	s7 =	ssub.s32 s24, s9;
	s5 =	sadd.s32 s6, s5  }
0xd: {  	s0 =	sadd.s32 s0, s8;
	s24 =	simm.s32 $0x6;
	s1 =	sshrl.u32 s1, $0x3  }
0xe: {  	s25 =	sshrl.u32 s5, $0x3;
	s0 =	sshll.u32 s0, $0x4;
	s26 =	smax.u32 s7, $0x1  }
0xf: {  	s1 =	sadd.s32 s2, s1;
	[dreg:$0x4] =	wrdreg s26;
	s6 =	sadd.s32 s25, s4  }
.Ltmp0:
0x10: {  	s0 =	sadd.s32 s0, s4;
	s25 =	simm.s32 $0x10400;
	(pc) =	sbr.rel .LBB2_1-.Ltmp0, $4  }
0x11: {  	s26 =	simm.s32 $0x7;
	s4 =	simm.s32 $0x0;
	[dreg:$0x3] =	wrdreg s1  }
0x12: {  	s7 =	sadd.s32 $0x3800, s0;
	s8 =	sadd.s32 $0x3000, s0;
	s9 =	sadd.s32 $0x2800, s0  }
0x13: {  	s10 =	sadd.s32 $0x2000, s0;
	s11 =	sadd.s32 $0x1800, s0;
	s12 =	sadd.s32 $0x1000, s0  }
0x14: {  	s13 =	sadd.s32 $0x800, s0;
	s1 =	simm.s32 $0x40;
	s0 =	simm.s32 $0x2  }
.LBB2_4:
0x15: {  	s4 =	rddreg [dreg:$0x5]  }
0x16: {  	s2 =	rddreg [dreg:$0x4];
	s4 =	sadd.s32 $0x1, s4  }
0x17: {  	p0 =	sne.s32 s4, s2  }
.Ltmp1:
0x18: {  	_ = 	snop;
	(pc) =	sbr.rel @!p0 .LBB2_5-.Ltmp1, $1  }
0x19: {  	_ =	sdelay $0x3  }
.LBB2_1:
0x1a: {  	[dreg:$0x5] =	wrdreg s4  }
0x1b: {  	s2 =	simm.s32 $0x0;
	s16 =	rddreg [dreg:$0x3]  }
0x1c: {  	[tilespmem:s2], [sflag:$0x9] =	stream.linear.gather [hbm4b:s16+s2], $0x6400, $0x38;
	[tilespmem:$0x16400] =	vst v63  }
0x1d: {  	_ =	swait.ge [sflag:s14], $0x6400  }
0x1e: {  	[sflag:s14] =	ssyncset.done $0x0  }
0x1f: {  	s17 =	simm.s32 $0x6400;
	[sflag:s14] =	ssyncadd.s32 $0xFFFF9C00  }
0x20: {  	[tilespmem:s17], [sflag:$0x1] =	stream.indirect.gather [hbm4b:s3+s15], $0x40, s2, s15, $0xb8;
	[tilespmem:$0x16400] =	vst v63  }
0x21: {  	s5 =	simm.s32 $0x8400  }
0x22: {  	[tilespmem:s5], [sflag:$0x2] =	stream.indirect.gather [hbm4b:s3+s15], $0x40, s15, s15, $0xb8;
	[tilespmem:$0x16400] =	vst v63  }
0x23: {  	s16 =	simm.s32 $0x100  }
0x24: {  	[tilespmem:s19], [sflag:$0x3] =	stream.indirect.gather [hbm4b:s3+s15], $0x40, s16, s15, $0xb8;
	[tilespmem:$0x16400] =	vst v63  }
0x25: {  	s17 =	simm.s32 $0x180  }
0x26: {  	[tilespmem:s21], [sflag:$0x4] =	stream.indirect.gather [hbm4b:s3+s15], $0x40, s17, s15, $0xb8;
	[tilespmem:$0x16400] =	vst v63  }
0x27: {  	s4 =	simm.s32 $0x200  }
0x28: {  	[tilespmem:s23], [sflag:$0x5] =	stream.indirect.gather [hbm4b:s3+s15], $0x40, s4, s15, $0xb8;
	[tilespmem:$0x16400] =	vst v63  }
0x29: {  	s5 =	simm.s32 $0x280  }
0x2a: {  	[tilespmem:s25], [sflag:$0x6] =	stream.indirect.gather [hbm4b:s3+s15], $0x40, s5, s15, $0xb8;
	[tilespmem:$0x16400] =	vst v63  }
0x2b: {  	s16 =	simm.s32 $0x300  }
0x2c: {  	[tilespmem:s28], [sflag:$0x7] =	stream.indirect.gather [hbm4b:s3+s15], $0x40, s16, s15, $0xb8;
	[tilespmem:$0x16400] =	vst v63  }
0x2d: {  	s17 =	simm.s32 $0x380;
	s4 =	simm.s32 $0x400;
	s5 =	simm.s32 $0x0  }
0x2e: {  	[tilespmem:s30], [sflag:$0x8] =	stream.indirect.gather [hbm4b:s3+s15], $0x40, s17, s15, $0xb8;
	[tilespmem:$0x16400] =	vst v63  }
.LBB2_2:
0x2f: {  	_ =	swait.ge [sflag:s31], $0x2000  }
0x30: {  	[sflag:s31] =	ssyncset.done $0x0  }
0x31: {  	s2 =	sadd.s32 s5, s6;
	s16 =	simm.s32 $0x6400;
	[sflag:s31] =	ssyncadd.s32 $0xFFFFE000  }
0x32: {  	[hbm4b:s2+s1] =	stream.strided.scatter [tilespmem:s16], [sflag:$0x9], $0x2000, s15, s1, $0x38;
	[tilespmem:$0x16400] =	vst v63  }
0x33: {  	_ =	swait.ge [sflag:s14], $0x2000  }
0x34: {  	p0 =	seq.s32 s5, $0x60000;
	[sflag:s14] =	ssyncset.done $0x0  }
0x35: {  	s2 =	simm.s32 @!p0 $0x80;
	s16 =	simm.s32 @!p0 $0x6400;
	[sflag:s14] =	ssyncadd.s32 $0xFFFFE000  }
0x36: {  	[tilespmem:s16], [sflag:$0x1] =	stream.indirect.gather @!p0 [hbm4b:s3+s2], $0x40, s4, s2, $0xb8;
	[tilespmem:$0x16400] =	vst v63  }
0x37: {  	_ =	swait.ge [sflag:s0], $0x2000  }
0x38: {  	[sflag:s0] =	ssyncset.done $0x0  }
0x39: {  	s17 =	simm.s32 $0x8400;
	s16 =	sadd.s32 s5, s13;
	[sflag:s0] =	ssyncadd.s32 $0xFFFFE000  }
0x3a: {  	[hbm4b:s16+s1] =	stream.strided.scatter [tilespmem:s17], [sflag:$0x9], $0x2000, s15, s1, $0x38;
	[tilespmem:$0x16400] =	vst v63  }
0x3b: {  	_ =	swait.ge [sflag:s14], $0x2000  }
0x3c: {  	[sflag:s14] =	ssyncset.done $0x0  }
0x3d: {  	s16 =	sadd.s32 @!p0 $0x80, s4;
	s17 =	simm.s32 @!p0 $0x8400;
	[sflag:s14] =	ssyncadd.s32 $0xFFFFE000  }
0x3e: {  	[tilespmem:s17], [sflag:$0x2] =	stream.indirect.gather @!p0 [hbm4b:s3+s2], $0x40, s16, s2, $0xb8;
	[tilespmem:$0x16400] =	vst v63  }
0x3f: {  	_ =	swait.ge [sflag:s18], $0x2000  }
0x40: {  	[sflag:s18] =	ssyncset.done $0x0  }
0x41: {  	s17 =	sadd.s32 s5, s12;
	[sflag:s18] =	ssyncadd.s32 $0xFFFFE000  }
0x42: {  	[hbm4b:s17+s1] =	stream.strided.scatter [tilespmem:s19], [sflag:$0x9], $0x2000, s15, s1, $0x38;
	[tilespmem:$0x16400] =	vst v63  }
0x43: {  	_ =	swait.ge [sflag:s14], $0x2000  }
0x44: {  	[sflag:s14] =	ssyncset.done $0x0  }
0x45: {  	s16 =	sadd.s32 @!p0 $0x100, s4;
	s17 =	simm.s32 @!p0 $0xA400;
	[sflag:s14] =	ssyncadd.s32 $0xFFFFE000  }
0x46: {  	[tilespmem:s17], [sflag:$0x3] =	stream.indirect.gather @!p0 [hbm4b:s3+s2], $0x40, s16, s2, $0xb8;
	[tilespmem:$0x16400] =	vst v63  }
0x47: {  	_ =	swait.ge [sflag:s20], $0x2000  }
0x48: {  	[sflag:s20] =	ssyncset.done $0x0  }
0x49: {  	s17 =	sadd.s32 s5, s11;
	[sflag:s20] =	ssyncadd.s32 $0xFFFFE000  }
0x4a: {  	[hbm4b:s17+s1] =	stream.strided.scatter [tilespmem:s21], [sflag:$0x9], $0x2000, s15, s1, $0x38;
	[tilespmem:$0x16400] =	vst v63  }
0x4b: {  	_ =	swait.ge [sflag:s14], $0x2000  }
0x4c: {  	[sflag:s14] =	ssyncset.done $0x0  }
0x4d: {  	s16 =	sadd.s32 @!p0 $0x180, s4;
	s17 =	simm.s32 @!p0 $0xC400;
	[sflag:s14] =	ssyncadd.s32 $0xFFFFE000  }
0x4e: {  	[tilespmem:s17], [sflag:$0x4] =	stream.indirect.gather @!p0 [hbm4b:s3+s2], $0x40, s16, s2, $0xb8;
	[tilespmem:$0x16400] =	vst v63  }
0x4f: {  	_ =	swait.ge [sflag:s22], $0x2000  }
0x50: {  	[sflag:s22] =	ssyncset.done $0x0  }
0x51: {  	s17 =	sadd.s32 s5, s10;
	[sflag:s22] =	ssyncadd.s32 $0xFFFFE000  }
0x52: {  	[hbm4b:s17+s1] =	stream.strided.scatter [tilespmem:s23], [sflag:$0x9], $0x2000, s15, s1, $0x38;
	[tilespmem:$0x16400] =	vst v63  }
0x53: {  	_ =	swait.ge [sflag:s14], $0x2000  }
0x54: {  	[sflag:s14] =	ssyncset.done $0x0  }
0x55: {  	s16 =	sadd.s32 @!p0 $0x200, s4;
	s17 =	simm.s32 @!p0 $0xE400;
	[sflag:s14] =	ssyncadd.s32 $0xFFFFE000  }
0x56: {  	[tilespmem:s17], [sflag:$0x5] =	stream.indirect.gather @!p0 [hbm4b:s3+s2], $0x40, s16, s2, $0xb8;
	[tilespmem:$0x16400] =	vst v63  }
0x57: {  	_ =	swait.ge [sflag:s24], $0x2000  }
0x58: {  	[sflag:s24] =	ssyncset.done $0x0  }
0x59: {  	s17 =	sadd.s32 s5, s9;
	[sflag:s24] =	ssyncadd.s32 $0xFFFFE000  }
0x5a: {  	[hbm4b:s17+s1] =	stream.strided.scatter [tilespmem:s25], [sflag:$0x9], $0x2000, s15, s1, $0x38;
	[tilespmem:$0x16400] =	vst v63  }
0x5b: {  	_ =	swait.ge [sflag:s14], $0x2000  }
0x5c: {  	[sflag:s14] =	ssyncset.done $0x0  }
0x5d: {  	s16 =	sadd.s32 @!p0 $0x280, s4;
	s17 =	simm.s32 @!p0 $0x10400;
	[sflag:s14] =	ssyncadd.s32 $0xFFFFE000  }
0x5e: {  	[tilespmem:s17], [sflag:$0x6] =	stream.indirect.gather @!p0 [hbm4b:s3+s2], $0x40, s16, s2, $0xb8;
	[tilespmem:$0x16400] =	vst v63  }
0x5f: {  	_ =	swait.ge [sflag:s26], $0x2000  }
0x60: {  	[sflag:s26] =	ssyncset.done $0x0  }
0x61: {  	s17 =	sadd.s32 s5, s8;
	[sflag:s26] =	ssyncadd.s32 $0xFFFFE000  }
0x62: {  	[hbm4b:s17+s1] =	stream.strided.scatter [tilespmem:s28], [sflag:$0x9], $0x2000, s15, s1, $0x38;
	[tilespmem:$0x16400] =	vst v63  }
0x63: {  	_ =	swait.ge [sflag:s14], $0x2000  }
0x64: {  	[sflag:s14] =	ssyncset.done $0x0  }
0x65: {  	s16 =	sadd.s32 @!p0 $0x300, s4;
	s17 =	simm.s32 @!p0 $0x12400;
	[sflag:s14] =	ssyncadd.s32 $0xFFFFE000  }
0x66: {  	[tilespmem:s17], [sflag:$0x7] =	stream.indirect.gather @!p0 [hbm4b:s3+s2], $0x40, s16, s2, $0xb8;
	[tilespmem:$0x16400] =	vst v63  }
0x67: {  	_ =	swait.ge [sflag:s29], $0x2000  }
0x68: {  	[sflag:s29] =	ssyncset.done $0x0  }
.Ltmp2:
0x69: {  	s17 =	sadd.s32 s5, s7;
	[sflag:s29] =	ssyncadd.s32 $0xFFFFE000;
	(pc) =	sbr.rel @p0 .LBB2_4-.Ltmp2, $4  }
0x6a: {  	[hbm4b:s17+s1] =	stream.strided.scatter [tilespmem:s30], [sflag:$0x9], $0x2000, s15, s1, $0x38;
	[tilespmem:$0x16400] =	vst v63  }
0x6b: {  	_ =	swait.ge [sflag:s14], $0x2000  }
0x6c: {  	[sflag:s14] =	ssyncset.done $0x0  }
0x6d: {  	[sflag:s14] =	ssyncadd.s32 $0xFFFFE000  }
.Ltmp3:
0x6e: {  	(pc) =	sbr.rel .LBB2_2-.Ltmp3, $3  }
0x6f: {  	_ =	sdelay $0x1  }
0x70: {  	s2 =	sadd.s32 $0x380, s4;
	s5 =	sadd.s32 $0x4000, s5;
	s4 =	sadd.s32 $0x400, s4  }
0x71: {  	[tilespmem:s30], [sflag:$0x8] =	stream.indirect.gather [hbm4b:s3+s15], $0x40, s2, s15, $0xb8;
	[tilespmem:$0x16400] =	vst v63  }
.LBB2_5:
0x72: {  	_ =	sfence.sel $0x180000  }
0x73: {  	[bflag:$0x0] =	sbarrier.arrive $0xFFFF  }
0x74: {  	_ =	strace $0x90000047  }
0x75: {  	s0 =	stileid.u32;
	[bflag:$0x2] =	sbarrier.arrive $0xFFFF  }
0x76: {  	p0 =	sne.s32 s0, $0x0;
	s0 =	rddreg [dreg:$0x2]  }
0x77: {  	s0 =	sadd.s32 @!p0 $0x100000, s0  }
0x78: {  	[sflag:s0] =	ssyncadd.tile.s32 @!p0 $0x1;
	_ =	shalt  }
.Lfunc_end2:
_tile_overlayer_lowered:
.L_overlay_start_2:
0x79: {  	(tag) =	ssettag $0x2  }
0x7a: {  	s0 =	rddreg [dreg:$0x0];
	s2 =	stileid.u32  }
0x7b: {  	s1 =	rddreg [dreg:$0x1];
	p0 =	sne.s32 s2, $0x0  }
0x7c: {  	s3 =	rddreg [dreg:$0x2];
	[bflag:$0x3] =	sbarrier.arrive $0xFFFF;
	s2 =	simm.s32 @!p0 $0x1C09  }
0x7d: {  	[timem:s3], [sflag:s2] =	dma.local @!p0 [hbm:s0], s1  }
0x7e: {  	s0 =	simm.s32 @!p0 $0x9  }
0x7f: {  	_ =	swait.ge @!p0 [sflag:s0], s1  }
0x80: {  	s1 =	ssub.s32 @!p0 $0x0, s1;
	[sflag:s0] =	ssyncset.done @!p0 $0x0  }
0x81: {  	[sflag:s0] =	ssyncadd.s32 @!p0 s1  }
0x82: {  	[bflag:$0x3] =	sbarrier.arrive $0xFFFF  }
0x83: {  	_ =	shalt  }

// kernel: sparse-core-data-format-call.cloned.1.call-start
scs
called_computation_lowered:
.L_overlay_start_0:
0x0: {  	s2 =	sld [smem:$0x3FD9]  }
0x1: {  	s3 =	sld [smem:$0x3FFE];
	_ =	sdelay $0x1  }
0x2: {  	s1 =	srdreg.scid  }
0x3: {  	s0 =	sand.u32 $0x1, s1  }
0x4: {  	s18 =	sshll.u32 s0, $0xA;
	s2 =	sadd.s32 s3, s2  }
0x5: {  	s2 =	sadd.s32 s2, s18  }
0x6: {  	[smem:$0x3FC6] =	sst s2  }
0x7: {  	_ = 	snop  }
0x8: {  	s2 =	sld [smem:$0x3FD0];
	(tm) =	ssettm $0x1  }
0x9: {  	s19 =	sld [smem:$0x3FFB];
	_ =	sdelay $0x3  }
0xa: {  	_ =	strace s19  }
0xb: {  	s3 =	sld [smem:$0x3FFC];
	_ =	sdelay $0x3  }
0xc: {  	_ =	strace s3  }
0xd: {  	s3 =	sld [smem:$0x3FFD];
	_ =	sdelay $0x3  }
0xe: {  	_ =	strace s3  }
0xf: {  	_ =	strace $0x8FFFFFFF  }
0x10: {  	s20 =	sld [smem:$0x3FDB];
	_ =	sdelay $0x1  }
0x11: {  	s4 =	simm.s32 $_scs_section_size  }
0x12: {  	s5 =	simm.s32 $_size__tile_overlayer_lowered;
	s6 =	simm.s32 $_tile_overlayer_lowered  }
0x13: {  	s23 =	simm.s32 $0x1BFF;
	s22 =	sshll.u32 s6, $0x1;
	s3 =	sadd.s32 s4, s20  }
0x14: {  	s7 =	simm.s32 $0x0;
	s21 =	sshll.u32 s5, $0x1;
	s5 =	sadd.s32 s22, s3  }
0x15: {  	[timem:s7], [sflag:s23] =	dma.local [hbm:s5], s21  }
0x16: {  	_ =	swait.ge [sflag:s23], s21  }
0x17: {  	s4 =	ssub.s32 $0x0, s21;
	[sflag:s23] =	ssyncset.done $0x0  }
0x18: {  	[sflag:s23] =	ssyncadd.s32 s4;
	_ =	sdelay $0x1  }
0x19: {  	s24 =	simm.s32 $0x1B8B  }
0x1a: {  	_ =	swait.ge [sflag:s24], $0x1  }
0x1b: {  	[sflag:s24] =	ssyncset.done $0x0  }
0x1c: {  	s26 =	simm.s32 $0x1B8E;
	s25 =	sld [smem:$0x3FFE];
	[sflag:s24] =	ssyncadd.s32 $0xFFFFFFFF  }
0x1d: {  	s27 =	simm.s32 $execute0_lowered;
	[smem:$0x3FD2] =	sst s26  }
0x1e: {  	s5 =	sshll.u32 s27, $0x1;
	_ =	strace $0x80000049;
	[dreg:$0x1] =	wrdreg $0xFFFFFFFF  }
0x1f: {  	s28 =	simm.s32 $_size_execute0_lowered;
	s3 =	sadd.s32 s3, s5;
	[dreg:$0x0] =	wrdreg $0x0  }
0x20: {  	s5 =	sshll.u32 s28, $0x1;
	[dreg:$0x2] =	wrdreg s3  }
0x21: {  	[dreg:$0x3] =	wrdreg s5  }
0x22: {  	[dreg:$0x4] =	wrdreg $0xC0  }
0x23: {  	_ =	task [dreg:s7], $0x5FFFF  }
0x24: {  	[dreg:$0x1] =	wrdreg $0xFFFFFFFF  }
0x25: {  	[dreg:$0x0] =	wrdreg $0x60  }
0x26: {  	[dreg:$0x2] =	wrdreg s25  }
0x27: {  	[dreg:$0x3] =	wrdreg s2  }
0x28: {  	[dreg:$0x4] =	wrdreg $0x9  }
0x29: {  	_ =	task.clear_ibuf [dreg:s7], $0x5FFFF;
	_ =	strace $0x90000049  }
0x2a: {  	s29 =	simm.s32 $0x9;
	_ =	strace $0x8000004B  }
0x2b: {  	_ =	swait.ge [sflag:s29], $0x1  }
0x2c: {  	[sflag:s29] =	ssyncadd.s32 $0xFFFFFFFF  }
0x2d: {  	_ =	strace $0x9000004B  }
0x2e: {  	_ =	sfence  }
0x2f: {  	s30 =	sld [smem:$0x0];
	_ =	sdelay $0x2  }
0x30: {  	s31 =	sshll.u32 s1, $0xD;
	s1 =	sshrl.u32 s1, $0x2  }
0x31: {  	s3 =	sand.u32 $0x4000, s31;
	s1 =	sadd.s32 s1, s30  }
0x32: {  	s0 =	sor.u32 s3, s0;
	s1 =	sshll.u32 s1, $0x11  }
0x33: {  	s0 =	sor.u32 s1, s0  }
0x34: {  	s0 =	sadd.s32 $0x8F2B, s0  }
0x35: {  	[sflag:s0] =	ssyncadd.remote.s32 $0x1  }
0x36: {  	_ =	sfence.sel $0xFFFF  }
0x37: {  	[dreg:$0x0] =	wrdreg $0xFFFFFFFF;
	(pc) =	sbr.abs _section_cstart, $3  }
0x38: {  	[dreg:$0x1] =	wrdreg $0xFFFFFFFF  }
0x39: {  	_ =	task.clear_ibuf [dreg:s7], $0x2FFFF;
	_ =	strace $0x9FFFFFFF  }
0x3a: {  	(tm) =	ssettm $0x7FFFFFFF  }
0x3b: {  	_ =	shalt  }
tec
execute0_lowered:
.L_overlay_start_1:
0x0: {  	(tag) =	ssettag $0x1  }
0x1: {  	s0 =	srdreg.scid  }
0x2: {  	s1 =	sshll.u32 s0, $0x4  }
0x3: {  	s4 =	rddreg [dreg:$0x0];
	s0 =	stileid.u32;
	s1 =	sand.u32 $0x10, s1  }
0x4: {  	s2 =	rddreg [dreg:$0x1];
	s7 =	simm.s32 $0x1;
	s1 =	sor.u32 s0, s1  }
0x5: {  	s8 =	simm.s32 $0x2;
	s11 =	simm.s32 $0x0;
	s3 =	sshll.u32 s1, $0x7  }
0x6: {  	s10 =	simm.s32 $0x0;
	s4 =	sadd.s32 $0x800, s4;
	s6 =	ssub.s32 $0xC8000, s3  }
.Ltmp0:
0x7: {  	s1 =	rddreg [dreg:$0x2];
	s5 =	sand.u32 $0xF80, s6;
	(pc) =	sbr.rel .LBB1_1-.Ltmp0, $4  }
0x8: {  	_ =	strace $0x8000004A;
	s9 =	smov.u32 s3;
	p0 =	sne.s32 s5, $0x0  }
0x9: {  	s6 =	sshrl.u32 s6, $0xC;
	s5 =	simm.s32 $0x1;
	s7 =	simm.s32 @!p0 $0x0  }
0xa: {  	[sflag:s5] =	ssyncpa.u1 $0x0;
	p0 =	por $0x0, $0x0;
	s6 =	sadd.s32 s7, s6  }
0xb: {  	[sflag:s8] =	ssyncpa.u1 $0x0;
	s8 =	simm.s32 $0x640000;
	s7 =	sadd.s32 $0x1, s6  }
.LBB1_4:
0xc: {  	s14 =	sshll.u32 s11, $0x3  }
0xd: {  	s30 =	sand.u32 $0x7F, s11;
	s15 =	sand.u32 $0xFFFFFC00, s14  }
0xe: {  	s11 =	sor.u32 s30, s15  }
0xf: {  	s15 =	smulhi.u32 $0x51EB851F, s11  }
0x10: {  	s14 =	smulhi.u32 $0x51EB851F, s14  }
0x11: {  	s15 =	sshrl.u32 s15, $0x12  }
0x12: {  	s14 =	sshrl.u32 s14, $0x12;
	s15 =	smul.u32 $0xC8000, s15  }
0x13: {  	s14 =	sand.u32 $0x3F, s14  }
0x14: {  	s14 =	smul.u32 $0x19000, s14;
	s11 =	ssub.s32 s11, s15  }
0x15: {  	[tilespmem:s13+$0x810 ss:$0x81] =	vst.msk $0xffff, v2;
	s15 =	sand.u32 $0x7, s11  }
0x16: {  	[tilespmem:s13+$0x1020 ss:$0x81] =	vst.msk $0xffff, v0;
	s14 =	sadd.s32 s2, s14;
	s11 =	sshrl.u32 s11, $0x3;
	s15 =	sshll.u32 s15, $0x12  }
0x17: {  	[tilespmem:s13+$0x0 ss:$0x81] =	vst.msk $0xffff, v1;
	s11 =	sadd.s32 s11, s14;
	s31 =	sor.u32 $0x400, s15  }
0x18: {  	[hbm4b:s11+s31] =	stream.strided.scatter [tilespmem:s12], [sflag:$0x2], $0x2000, s8, s31, $0x20;
	[tilespmem:$0x8080] =	vst v63  }
.LBB1_5:
0x19: {  	s13 =	sadd.s32 $0x1000, s9  }
0x1a: {  	p2 =	sgt.s32 s13, $0xC7FFF  }
0x1b: {  	s13 =	smov.u32 @p2 s3;
	p2 =	sne.s32 s10, s7  }
.Ltmp1:
0x1c: {  	p1 =	slt.u32 s10, $0x2;
	(pc) =	sbr.rel @!p2 .LBB1_6-.Ltmp1, $4  }
0x1d: {  	s12 =	simm.s32 @!p1 $0x2  }
0x1e: {  	s14 =	sadd.s32 $0x1, s10;
	_ =	swait.ge @!p1 [sflag:s12], $0x2000  }
0x1f: {  	s11 =	smov.u32 s9;
	p0 =	por !p0, !p0;
	[sflag:s12] =	ssyncset.done @!p1 $0x0  }
0x20: {  	s10 =	smov.u32 s14;
	s9 =	smov.u32 s13;
	[sflag:s12] =	ssyncadd.s32 @!p1 $0xFFFFE000  }
.LBB1_1:
0x21: {  	p1 =	sge.u32 s10, s6  }
0x22: {  	s12 =	sand.u32 @!p1 $0x1FFFFFF, s9  }
0x23: {  	s13 =	smulhi.u32 @!p1 $0x147AE15, s12;
	_ =	sdelay $0x1  }
0x24: {  	s13 =	sshrl.u32 @!p1 s13, $0xC  }
0x25: {  	s13 =	smul.u32 @!p1 $0xC8000, s13;
	_ =	sdelay $0x1  }
0x26: {  	s31 =	sadd.s32 $0xFFFFFFFF, s10;
	s14 =	sxor.u32 @!p1 $0xFFFFFFFF, s10;
	s12 =	ssub.s32 @!p1 s12, s13  }
0x27: {  	s15 =	simm.s32 @!p1 $0x80;
	s14 =	sshll.u32 @!p1 s14, $0xD;
	s12 =	sshll.u32 @!p1 s12, $0x4  }
0x28: {  	s13 =	sand.u32 @!p1 $0x2000, s14;
	s14 =	simm.s32 @!p1 $0x40;
	s12 =	sadd.s32 @!p1 s4, s12  }
0x29: {  	[tilespmem:s13], [sflag:$0x1] =	stream.strided.gather @!p1 [hbm4b:s12+s14], $0x2000, s15, s14, $0x38;
	[tilespmem:$0x8080] =	vst v63  }
0x2a: {  	p1 =	sge.u32 s31, s6  }
.Ltmp2:
0x2b: {  	_ = 	snop;
	(pc) =	sbr.rel @p1 .LBB1_5-.Ltmp2, $1  }
0x2c: {  	_ =	sdelay $0x3  }
0x2d: {  	s12 =	simm.s32 $0x1  }
0x2e: {  	_ =	swait.ge [sflag:s5], $0x2000;
	s12 =	simm.s32 @!p0 $0x0  }
0x2f: {  	[sflag:s5] =	ssyncset.done $0x0;
	s13 =	sshll.u32 s12, $0xD  }
0x30: {  	[sflag:s5] =	ssyncadd.s32 $0xFFFFE000;
	s16 =	sor.u32 $0x20, s13  }
0x31: {  	s12 =	smul.u32 $0x8100, s12;
	v3 =	vld [tilespmem:s16+$0x10]  }
0x32: {  	s30 =	sand.u32 $0x1, s10;
	v2 =	vld [tilespmem:s16+$0xFFFFFFF0]  }
0x33: {  	s13 =	smul.u32 $0x8100, s30;
	s12 =	sshrl.u32 s12, $0x2;
	v0 =	vld [tilespmem:s16+$0x0]  }
0x34: {  	v1 =	vld [tilespmem:s16+$0xFFFFFFE0];
	s14 =	sor.u32 $0x4000, s12  }
0x35: {  	s31 =	sshrl.u32 s13, $0x2;
	s13 =	sadd.s32 $0x0, s14  }
0x36: {  	s15 =	simm.s32 $0x4;
	s16 =	sadd.s32 $0x40, s16;
	s12 =	sor.u32 $0x4000, s31;
	[tilespmem:s13+$0x1830 ss:$0x81] =	vst.msk $0xffff, v3  }
.LBB1_3:
0x37: {  	v3 =	vld [tilespmem:s16+$0x10];
	p1 =	sne.s32 s15, $0x1FC;
	[tilespmem:s13+$0x810 ss:$0x81] =	vst.msk $0xffff, v2;
	s17 =	smov.u32 s15;
	s15 =	sadd.s32 $0x4, s15  }
.Ltmp3:
0x38: {  	v2 =	vld [tilespmem:s16+$0xFFFFFFF0];
	[tilespmem:s13+$0x1020 ss:$0x81] =	vst.msk $0xffff, v0;
	(pc) =	sbr.rel @p1 .LBB1_3-.Ltmp3, $4  }
0x39: {  	v0 =	vld [tilespmem:s16+$0x0];
	[tilespmem:s13+$0x0 ss:$0x81] =	vst.msk $0xffff, v1  }
0x3a: {  	s13 =	sshra.s32 s17, $0x2;
	v1 =	vld [tilespmem:s16+$0xFFFFFFE0]  }
0x3b: {  	s13 =	sadd.s32 s13, s14  }
0x3c: {  	s16 =	sadd.s32 $0x40, s16;
	[tilespmem:s13+$0x1830 ss:$0x81] =	vst.msk $0xffff, v3  }
.Ltmp4:
0x3d: {  	_ = 	snop;
	(pc) =	sbr.rel .LBB1_4-.Ltmp4, $1  }
0x3e: {  	_ =	sdelay $0x3  }
.LBB1_6:
0x3f: {  	_ =	sfence.sel $0x180000  }
0x40: {  	s2 =	simm.s32 $0x1;
	[bflag:$0x0] =	sbarrier.arrive $0xFFFF  }
0x41: {  	s31 =	simm.s32 $0x2;
	[sflag:s2] =	ssyncpa.u1 $0x1  }
0x42: {  	[sflag:s31] =	ssyncpa.u1 $0x1  }
0x43: {  	p0 =	sne.s32 s0, $0x0;
	_ =	strace $0x9000004A  }
0x44: {  	s0 =	sadd.s32 @!p0 $0x100000, s1;
	[bflag:$0x2] =	sbarrier.arrive $0xFFFF  }
0x45: {  	[sflag:s0] =	ssyncadd.tile.s32 @!p0 $0x1;
	_ =	shalt  }
.Lfunc_end1:
_tile_overlayer_lowered:
.L_overlay_start_2:
0x46: {  	(tag) =	ssettag $0x2  }
0x47: {  	s0 =	rddreg [dreg:$0x0];
	s2 =	stileid.u32  }
0x48: {  	s1 =	rddreg [dreg:$0x1];
	p0 =	sne.s32 s2, $0x0  }
0x49: {  	s3 =	rddreg [dreg:$0x2];
	[bflag:$0x3] =	sbarrier.arrive $0xFFFF;
	s2 =	simm.s32 @!p0 $0x1C01  }
0x4a: {  	[timem:s3], [sflag:s2] =	dma.local @!p0 [hbm:s0], s1  }
0x4b: {  	s0 =	simm.s32 @!p0 $0x1  }
0x4c: {  	_ =	swait.ge @!p0 [sflag:s0], s1  }
0x4d: {  	s1 =	ssub.s32 @!p0 $0x0, s1;
	[sflag:s0] =	ssyncset.done @!p0 $0x0  }
0x4e: {  	[sflag:s0] =	ssyncadd.s32 @!p0 s1  }
0x4f: {  	[bflag:$0x3] =	sbarrier.arrive $0xFFFF  }
0x50: {  	_ =	shalt  }

</sc_bundles>
